<compile_context>
chip_gen: v7x
topology: tpu7x:2x2x1
jax: 0.10.2.dev20260603
libtpu: 0.0.44.dev20260713+nightly
codegen_flags: <defaults>
</compile_context>

<pallas_src>
import jax
import jax.numpy as jnp
from jax import lax
from jax.experimental import pallas as pl
from jax.experimental.pallas import tpu as pltpu
from jax.experimental.pallas import tpu_sc as plsc

_DIM1 = 120000
_N = 256
_B = 2400
_ROWS = (3, 10, 12089)
_BCHUNK = _ROWS[2] // _B

_HEAD = 67200
_TAIL = _DIM1 - _HEAD
_NW = 24
_WROWS = _TAIL // _NW
_CHUNK = 440
_NCHUNK_SC = _WROWS // _CHUNK
_NC = 2


def _sc_tail_fill(out_hbm, zbuf, sem):
    wid = lax.axis_index("s") * _NC + lax.axis_index("c")
    zeros16 = jnp.zeros((16,), jnp.float32)

    def _zero_row(r, carry):
        for j in range(_N // 16):
            zbuf[r, pl.ds(j * 16, 16)] = zeros16
        return carry

    lax.fori_loop(0, _CHUNK, _zero_row, 0)

    @pl.when(wid < _NW)
    def _():
        base = _HEAD + wid * _WROWS
        copies = [
            pltpu.async_copy(zbuf, out_hbm.at[pl.ds(base + k * _CHUNK, _CHUNK)], sem)
            for k in range(_NCHUNK_SC)
        ]
        for cp in copies:
            cp.wait()


def _stage_tiles(row0_ref, zbuf, abuf, bbuf):
    row0 = row0_ref[...]
    ids = jax.lax.broadcasted_iota(jnp.int32, (_B, 1), 0)
    zbuf[...] = jnp.zeros((_B, _N), jnp.float32)
    abuf[...] = jnp.where((ids == _ROWS[0]) | (ids == _ROWS[1]), row0, 0.0)
    bbuf[...] = jnp.where(ids == _ROWS[2] - _BCHUNK * _B, row0, 0.0)


def _fire_chunks(out_ref, nchunk, zbuf, abuf, bbuf, sem):
    copies = []
    for k in range(nchunk):
        src = abuf if k == 0 else (bbuf if k == _BCHUNK else zbuf)
        copies.append(pltpu.make_async_copy(src, out_ref.at[pl.ds(k * _B, _B)], sem))
    for c in copies:
        c.start()
    for c in copies:
        c.wait()


def _tc_out1_body(row0_ref, out_ref, zbuf, abuf, bbuf, sem):
    _stage_tiles(row0_ref, zbuf, abuf, bbuf)
    _fire_chunks(out_ref, _DIM1 // _B, zbuf, abuf, bbuf, sem)


def _tc_head_body(row0_ref, _, out_ref, zbuf, abuf, bbuf, sem):
    _stage_tiles(row0_ref, zbuf, abuf, bbuf)
    _fire_chunks(out_ref, _HEAD // _B, zbuf, abuf, bbuf, sem)


def kernel(arr2):
    row0 = arr2[0:1, :]
    out_shape = jax.ShapeDtypeStruct((_DIM1, _N), jnp.float32)
    _scratch = [
        pltpu.VMEM((_B, _N), jnp.float32),
        pltpu.VMEM((_B, _N), jnp.float32),
        pltpu.VMEM((_B, _N), jnp.float32),
        pltpu.SemaphoreType.DMA,
    ]

    sc_tail = pl.kernel(
        _sc_tail_fill,
        mesh=plsc.VectorSubcoreMesh(core_axis_name="c", subcore_axis_name="s"),
        out_type=out_shape,
        scratch_types=[
            pltpu.VMEM((_CHUNK, _N), jnp.float32),
            pltpu.SemaphoreType.DMA,
        ],
    )
    out2_tail = sc_tail()

    out1 = pl.pallas_call(
        _tc_out1_body,
        in_specs=[pl.BlockSpec(memory_space=pltpu.VMEM)],
        out_specs=pl.BlockSpec(memory_space=pltpu.MemorySpace.HBM),
        out_shape=out_shape,
        scratch_shapes=_scratch,
    )(row0)

    out2 = pl.pallas_call(
        _tc_head_body,
        in_specs=[
            pl.BlockSpec(memory_space=pltpu.VMEM),
            pl.BlockSpec(memory_space=pltpu.MemorySpace.HBM),
        ],
        out_specs=pl.BlockSpec(memory_space=pltpu.MemorySpace.HBM),
        out_shape=out_shape,
        scratch_shapes=_scratch,
        input_output_aliases={1: 0},
    )(row0, out2_tail)

    return (out1, out2)

# --- scband reference (transcript-rebuilt; emitter-appended) ---
"""Pipeline reference for scband-my-model-61933428411376 (READ-ONLY COPY).

The authoritative reference and input builder live on the scoring server;
editing this copy changes nothing except your own understanding.
"""

import jax, jax.numpy as jnp
import numpy as np

DIM0 = 30
DIM1 = 120000

def _build_arr1():
    a = jnp.zeros((DIM0, DIM1), dtype=jnp.float32)
    a = a.at[0, 3].set(1.0).at[0, 10].set(1.0).at[0, 12089].set(1.0)
    return a

def _build_arr1_pretransposed():
    a = jnp.zeros((DIM1, DIM0), dtype=jnp.float32)
    a = a.at[3, 0].set(1.0).at[10, 0].set(1.0).at[12089, 0].set(1.0)
    return a

def setup_inputs(seed: int = 0) -> dict:
    key = jax.random.key(seed)
    arr2 = jax.random.normal(key, (DIM0, 256), dtype=jnp.float32)
    return {"arr2": arr2}

def reference(arr2):
    arr1 = _build_arr1()
    arr1_pre = _build_arr1_pretransposed()
    transposed_result = jnp.matmul(jnp.transpose(arr1, (1, 0)), arr2)
    pretransposed_result = jnp.matmul(arr1_pre, arr2)
    return (transposed_result, pretransposed_result)

if __name__ == "__main__":
    import jax
    _d = setup_inputs()
    print(jax.jit(kernel)(*tuple(_d.values())))

</pallas_src>

<mosaic_0001>
#map = affine_map<(d0, d1) -> (0, 0)>
module attributes {stable_mosaic.version = 14 : i64} {
  func.func @_sc_tail_fill(%arg0: i32, %arg1: i32, %arg2: memref<120000x256xf32, #tpu.memory_space<hbm>>, %arg3: memref<440x256xf32, #tpu.memory_space<vmem>>, %arg4: memref<!tpu.dma_semaphore, #tpu.memory_space<semaphore_mem>>) attributes {dimension_semantics = [#tpu.dimension_semantics<core_parallel>, #tpu.dimension_semantics<subcore_parallel>], iteration_bounds = array<i64: 2, 16>, scalar_prefetch = 0 : i64, scratch_operands = 2 : i64, tpu.core_type = #tpu.core_type<sc_vector_subcore>, window_params = [{transform_indices = #map}]} {
    %mul3A = arith.constant 2 : i32
    %mul3A_0 = arith.muli %arg1, %mul3A : i32
    %add3A = arith.addi %mul3A_0, %arg0 : i32
    %broadcast_in_dim3A = arith.constant 0.000000e+00 : f32
    %broadcast_in_dim3A_1 = vector.broadcast %broadcast_in_dim3A : f32 to vector<16xf32>
    %scan3A = arith.constant 0 : i32
    %scan3A_2 = arith.constant 0 : i32
    %scan3A_3 = arith.constant 440 : i32
    %scan3A_4 = arith.addi %scan3A_2, %scan3A_3 : i32
    %scan3A_5 = arith.constant 1 : i32
    scf.for %scan3A_9 = %scan3A_2 to %scan3A_4 step %scan3A_5  : i32 {
      %swap3A = arith.index_cast %scan3A_9 : i32 to index
      %swap3A_10 = arith.constant 0 : index
      %swap3A_11 = tpu.vector_load %arg3[%swap3A, %swap3A_10] {strides = array<i32>} : memref<440x256xf32, #tpu.memory_space<vmem>>, vector<1x16xf32>,
      %swap3A_12 = vector.shape_cast %swap3A_11 : vector<1x16xf32> to vector<16xf32>
      %swap3A_13 = vector.shape_cast %broadcast_in_dim3A_1 : vector<16xf32> to vector<1x16xf32>
      tpu.vector_store %arg3[%swap3A, %swap3A_10], %swap3A_13 {strides = array<i32>} : memref<440x256xf32, #tpu.memory_space<vmem>>, vector<1x16xf32>,
      %swap3A_14 = arith.index_cast %scan3A_9 : i32 to index
      %swap3A_15 = arith.constant 16 : index
      %swap3A_16 = tpu.vector_load %arg3[%swap3A_14, %swap3A_15] {strides = array<i32>} : memref<440x256xf32, #tpu.memory_space<vmem>>, vector<1x16xf32>,
      %swap3A_17 = vector.shape_cast %swap3A_16 : vector<1x16xf32> to vector<16xf32>
      %swap3A_18 = vector.shape_cast %broadcast_in_dim3A_1 : vector<16xf32> to vector<1x16xf32>
      tpu.vector_store %arg3[%swap3A_14, %swap3A_15], %swap3A_18 {strides = array<i32>} : memref<440x256xf32, #tpu.memory_space<vmem>>, vector<1x16xf32>,
      %swap3A_19 = arith.index_cast %scan3A_9 : i32 to index
      %swap3A_20 = arith.constant 32 : index
      %swap3A_21 = tpu.vector_load %arg3[%swap3A_19, %swap3A_20] {strides = array<i32>} : memref<440x256xf32, #tpu.memory_space<vmem>>, vector<1x16xf32>,
      %swap3A_22 = vector.shape_cast %swap3A_21 : vector<1x16xf32> to vector<16xf32>
      %swap3A_23 = vector.shape_cast %broadcast_in_dim3A_1 : vector<16xf32> to vector<1x16xf32>
      tpu.vector_store %arg3[%swap3A_19, %swap3A_20], %swap3A_23 {strides = array<i32>} : memref<440x256xf32, #tpu.memory_space<vmem>>, vector<1x16xf32>,
      %swap3A_24 = arith.index_cast %scan3A_9 : i32 to index
      %swap3A_25 = arith.constant 48 : index
      %swap3A_26 = tpu.vector_load %arg3[%swap3A_24, %swap3A_25] {strides = array<i32>} : memref<440x256xf32, #tpu.memory_space<vmem>>, vector<1x16xf32>,
      %swap3A_27 = vector.shape_cast %swap3A_26 : vector<1x16xf32> to vector<16xf32>
      %swap3A_28 = vector.shape_cast %broadcast_in_dim3A_1 : vector<16xf32> to vector<1x16xf32>
      tpu.vector_store %arg3[%swap3A_24, %swap3A_25], %swap3A_28 {strides = array<i32>} : memref<440x256xf32, #tpu.memory_space<vmem>>, vector<1x16xf32>,
      %swap3A_29 = arith.index_cast %scan3A_9 : i32 to index
      %swap3A_30 = arith.constant 64 : index
      %swap3A_31 = tpu.vector_load %arg3[%swap3A_29, %swap3A_30] {strides = array<i32>} : memref<440x256xf32, #tpu.memory_space<vmem>>, vector<1x16xf32>,
      %swap3A_32 = vector.shape_cast %swap3A_31 : vector<1x16xf32> to vector<16xf32>
      %swap3A_33 = vector.shape_cast %broadcast_in_dim3A_1 : vector<16xf32> to vector<1x16xf32>
      tpu.vector_store %arg3[%swap3A_29, %swap3A_30], %swap3A_33 {strides = array<i32>} : memref<440x256xf32, #tpu.memory_space<vmem>>, vector<1x16xf32>,
      %swap3A_34 = arith.index_cast %scan3A_9 : i32 to index
      %swap3A_35 = arith.constant 80 : index
      %swap3A_36 = tpu.vector_load %arg3[%swap3A_34, %swap3A_35] {strides = array<i32>} : memref<440x256xf32, #tpu.memory_space<vmem>>, vector<1x16xf32>,
      %swap3A_37 = vector.shape_cast %swap3A_36 : vector<1x16xf32> to vector<16xf32>
      %swap3A_38 = vector.shape_cast %broadcast_in_dim3A_1 : vector<16xf32> to vector<1x16xf32>
      tpu.vector_store %arg3[%swap3A_34, %swap3A_35], %swap3A_38 {strides = array<i32>} : memref<440x256xf32, #tpu.memory_space<vmem>>, vector<1x16xf32>,
      %swap3A_39 = arith.index_cast %scan3A_9 : i32 to index
      %swap3A_40 = arith.constant 96 : index
      %swap3A_41 = tpu.vector_load %arg3[%swap3A_39, %swap3A_40] {strides = array<i32>} : memref<440x256xf32, #tpu.memory_space<vmem>>, vector<1x16xf32>,
      %swap3A_42 = vector.shape_cast %swap3A_41 : vector<1x16xf32> to vector<16xf32>
      %swap3A_43 = vector.shape_cast %broadcast_in_dim3A_1 : vector<16xf32> to vector<1x16xf32>
      tpu.vector_store %arg3[%swap3A_39, %swap3A_40], %swap3A_43 {strides = array<i32>} : memref<440x256xf32, #tpu.memory_space<vmem>>, vector<1x16xf32>,
      %swap3A_44 = arith.index_cast %scan3A_9 : i32 to index
      %swap3A_45 = arith.constant 112 : index
      %swap3A_46 = tpu.vector_load %arg3[%swap3A_44, %swap3A_45] {strides = array<i32>} : memref<440x256xf32, #tpu.memory_space<vmem>>, vector<1x16xf32>,
      %swap3A_47 = vector.shape_cast %swap3A_46 : vector<1x16xf32> to vector<16xf32>
      %swap3A_48 = vector.shape_cast %broadcast_in_dim3A_1 : vector<16xf32> to vector<1x16xf32>
      tpu.vector_store %arg3[%swap3A_44, %swap3A_45], %swap3A_48 {strides = array<i32>} : memref<440x256xf32, #tpu.memory_space<vmem>>, vector<1x16xf32>,
      %swap3A_49 = arith.index_cast %scan3A_9 : i32 to index
      %swap3A_50 = arith.constant 128 : index
      %swap3A_51 = tpu.vector_load %arg3[%swap3A_49, %swap3A_50] {strides = array<i32>} : memref<440x256xf32, #tpu.memory_space<vmem>>, vector<1x16xf32>,
      %swap3A_52 = vector.shape_cast %swap3A_51 : vector<1x16xf32> to vector<16xf32>
      %swap3A_53 = vector.shape_cast %broadcast_in_dim3A_1 : vector<16xf32> to vector<1x16xf32>
      tpu.vector_store %arg3[%swap3A_49, %swap3A_50], %swap3A_53 {strides = array<i32>} : memref<440x256xf32, #tpu.memory_space<vmem>>, vector<1x16xf32>,
      %swap3A_54 = arith.index_cast %scan3A_9 : i32 to index
      %swap3A_55 = arith.constant 144 : index
      %swap3A_56 = tpu.vector_load %arg3[%swap3A_54, %swap3A_55] {strides = array<i32>} : memref<440x256xf32, #tpu.memory_space<vmem>>, vector<1x16xf32>,
      %swap3A_57 = vector.shape_cast %swap3A_56 : vector<1x16xf32> to vector<16xf32>
      %swap3A_58 = vector.shape_cast %broadcast_in_dim3A_1 : vector<16xf32> to vector<1x16xf32>
      tpu.vector_store %arg3[%swap3A_54, %swap3A_55], %swap3A_58 {strides = array<i32>} : memref<440x256xf32, #tpu.memory_space<vmem>>, vector<1x16xf32>,
      %swap3A_59 = arith.index_cast %scan3A_9 : i32 to index
      %swap3A_60 = arith.constant 160 : index
      %swap3A_61 = tpu.vector_load %arg3[%swap3A_59, %swap3A_60] {strides = array<i32>} : memref<440x256xf32, #tpu.memory_space<vmem>>, vector<1x16xf32>,
      %swap3A_62 = vector.shape_cast %swap3A_61 : vector<1x16xf32> to vector<16xf32>
      %swap3A_63 = vector.shape_cast %broadcast_in_dim3A_1 : vector<16xf32> to vector<1x16xf32>
      tpu.vector_store %arg3[%swap3A_59, %swap3A_60], %swap3A_63 {strides = array<i32>} : memref<440x256xf32, #tpu.memory_space<vmem>>, vector<1x16xf32>,
      %swap3A_64 = arith.index_cast %scan3A_9 : i32 to index
      %swap3A_65 = arith.constant 176 : index
      %swap3A_66 = tpu.vector_load %arg3[%swap3A_64, %swap3A_65] {strides = array<i32>} : memref<440x256xf32, #tpu.memory_space<vmem>>, vector<1x16xf32>,
      %swap3A_67 = vector.shape_cast %swap3A_66 : vector<1x16xf32> to vector<16xf32>
      %swap3A_68 = vector.shape_cast %broadcast_in_dim3A_1 : vector<16xf32> to vector<1x16xf32>
      tpu.vector_store %arg3[%swap3A_64, %swap3A_65], %swap3A_68 {strides = array<i32>} : memref<440x256xf32, #tpu.memory_space<vmem>>, vector<1x16xf32>,
      %swap3A_69 = arith.index_cast %scan3A_9 : i32 to index
      %swap3A_70 = arith.constant 192 : index
      %swap3A_71 = tpu.vector_load %arg3[%swap3A_69, %swap3A_70] {strides = array<i32>} : memref<440x256xf32, #tpu.memory_space<vmem>>, vector<1x16xf32>,
      %swap3A_72 = vector.shape_cast %swap3A_71 : vector<1x16xf32> to vector<16xf32>
      %swap3A_73 = vector.shape_cast %broadcast_in_dim3A_1 : vector<16xf32> to vector<1x16xf32>
      tpu.vector_store %arg3[%swap3A_69, %swap3A_70], %swap3A_73 {strides = array<i32>} : memref<440x256xf32, #tpu.memory_space<vmem>>, vector<1x16xf32>,
      %swap3A_74 = arith.index_cast %scan3A_9 : i32 to index
      %swap3A_75 = arith.constant 208 : index
      %swap3A_76 = tpu.vector_load %arg3[%swap3A_74, %swap3A_75] {strides = array<i32>} : memref<440x256xf32, #tpu.memory_space<vmem>>, vector<1x16xf32>,
      %swap3A_77 = vector.shape_cast %swap3A_76 : vector<1x16xf32> to vector<16xf32>
      %swap3A_78 = vector.shape_cast %broadcast_in_dim3A_1 : vector<16xf32> to vector<1x16xf32>
      tpu.vector_store %arg3[%swap3A_74, %swap3A_75], %swap3A_78 {strides = array<i32>} : memref<440x256xf32, #tpu.memory_space<vmem>>, vector<1x16xf32>,
      %swap3A_79 = arith.index_cast %scan3A_9 : i32 to index
      %swap3A_80 = arith.constant 224 : index
      %swap3A_81 = tpu.vector_load %arg3[%swap3A_79, %swap3A_80] {strides = array<i32>} : memref<440x256xf32, #tpu.memory_space<vmem>>, vector<1x16xf32>,
      %swap3A_82 = vector.shape_cast %swap3A_81 : vector<1x16xf32> to vector<16xf32>
      %swap3A_83 = vector.shape_cast %broadcast_in_dim3A_1 : vector<16xf32> to vector<1x16xf32>
      tpu.vector_store %arg3[%swap3A_79, %swap3A_80], %swap3A_83 {strides = array<i32>} : memref<440x256xf32, #tpu.memory_space<vmem>>, vector<1x16xf32>,
      %swap3A_84 = arith.index_cast %scan3A_9 : i32 to index
      %swap3A_85 = arith.constant 240 : index
      %swap3A_86 = tpu.vector_load %arg3[%swap3A_84, %swap3A_85] {strides = array<i32>} : memref<440x256xf32, #tpu.memory_space<vmem>>, vector<1x16xf32>,
      %swap3A_87 = vector.shape_cast %swap3A_86 : vector<1x16xf32> to vector<16xf32>
      %swap3A_88 = vector.shape_cast %broadcast_in_dim3A_1 : vector<16xf32> to vector<1x16xf32>
      tpu.vector_store %arg3[%swap3A_84, %swap3A_85], %swap3A_88 {strides = array<i32>} : memref<440x256xf32, #tpu.memory_space<vmem>>, vector<1x16xf32>,
    }
    %scan3A_6 = arith.constant 440 : i32
    %lt3A = arith.constant 24 : i32
    %lt3A_7 = arith.cmpi slt, %add3A, %lt3A : i32
    %convert_element_type3A = arith.extui %lt3A_7 : i1 to i32
    %cond3A = arith.constant 0 : i32
    %cond3A_8 = arith.cmpi ne, %convert_element_type3A, %cond3A : i32
    scf.if %cond3A_8 {
      %mul3A_9 = arith.constant 2200 : i32
      %mul3A_10 = arith.muli %add3A, %mul3A_9 : i32
      %add3A_11 = arith.constant 67200 : i32
      %add3A_12 = arith.addi %add3A_11, %mul3A_10 : i32
      %add3A_13 = arith.constant 0 : i32
      %add3A_14 = arith.addi %add3A_12, %add3A_13 : i32
      %dma_start3A = arith.constant 0 : i32
      %dma_start3A_15 = tpu.memref_slice %arg2[%add3A_14, %dma_start3A] : memref<120000x256xf32, #tpu.memory_space<hbm>> -> memref<440x256xf32, #tpu.memory_space<hbm>>
      %dma_start3A_16 = arith.constant 0 : i32
      %dma_start3A_17 = tpu.memref_slice %arg2[%add3A_14, %dma_start3A_16] : memref<120000x256xf32, #tpu.memory_space<hbm>> -> memref<440x256xf32, #tpu.memory_space<hbm>>
      tpu.enqueue_dma source(%arg3 : memref<440x256xf32, #tpu.memory_space<vmem>>) target(%dma_start3A_17 : memref<440x256xf32, #tpu.memory_space<hbm>>) target_semaphore(%arg4 : memref<!tpu.dma_semaphore, #tpu.memory_space<semaphore_mem>>)
      %add3A_18 = arith.constant 440 : i32
      %add3A_19 = arith.addi %add3A_12, %add3A_18 : i32
      %dma_start3A_20 = arith.constant 0 : i32
      %dma_start3A_21 = tpu.memref_slice %arg2[%add3A_19, %dma_start3A_20] : memref<120000x256xf32, #tpu.memory_space<hbm>> -> memref<440x256xf32, #tpu.memory_space<hbm>>
      %dma_start3A_22 = arith.constant 0 : i32
      %dma_start3A_23 = tpu.memref_slice %arg2[%add3A_19, %dma_start3A_22] : memref<120000x256xf32, #tpu.memory_space<hbm>> -> memref<440x256xf32, #tpu.memory_space<hbm>>
      tpu.enqueue_dma source(%arg3 : memref<440x256xf32, #tpu.memory_space<vmem>>) target(%dma_start3A_23 : memref<440x256xf32, #tpu.memory_space<hbm>>) target_semaphore(%arg4 : memref<!tpu.dma_semaphore, #tpu.memory_space<semaphore_mem>>)
      %add3A_24 = arith.constant 880 : i32
      %add3A_25 = arith.addi %add3A_12, %add3A_24 : i32
      %dma_start3A_26 = arith.constant 0 : i32
      %dma_start3A_27 = tpu.memref_slice %arg2[%add3A_25, %dma_start3A_26] : memref<120000x256xf32, #tpu.memory_space<hbm>> -> memref<440x256xf32, #tpu.memory_space<hbm>>
      %dma_start3A_28 = arith.constant 0 : i32
      %dma_start3A_29 = tpu.memref_slice %arg2[%add3A_25, %dma_start3A_28] : memref<120000x256xf32, #tpu.memory_space<hbm>> -> memref<440x256xf32, #tpu.memory_space<hbm>>
      tpu.enqueue_dma source(%arg3 : memref<440x256xf32, #tpu.memory_space<vmem>>) target(%dma_start3A_29 : memref<440x256xf32, #tpu.memory_space<hbm>>) target_semaphore(%arg4 : memref<!tpu.dma_semaphore, #tpu.memory_space<semaphore_mem>>)
      %add3A_30 = arith.constant 1320 : i32
      %add3A_31 = arith.addi %add3A_12, %add3A_30 : i32
      %dma_start3A_32 = arith.constant 0 : i32
      %dma_start3A_33 = tpu.memref_slice %arg2[%add3A_31, %dma_start3A_32] : memref<120000x256xf32, #tpu.memory_space<hbm>> -> memref<440x256xf32, #tpu.memory_space<hbm>>
      %dma_start3A_34 = arith.constant 0 : i32
      %dma_start3A_35 = tpu.memref_slice %arg2[%add3A_31, %dma_start3A_34] : memref<120000x256xf32, #tpu.memory_space<hbm>> -> memref<440x256xf32, #tpu.memory_space<hbm>>
      tpu.enqueue_dma source(%arg3 : memref<440x256xf32, #tpu.memory_space<vmem>>) target(%dma_start3A_35 : memref<440x256xf32, #tpu.memory_space<hbm>>) target_semaphore(%arg4 : memref<!tpu.dma_semaphore, #tpu.memory_space<semaphore_mem>>)
      %add3A_36 = arith.constant 1760 : i32
      %add3A_37 = arith.addi %add3A_12, %add3A_36 : i32
      %dma_start3A_38 = arith.constant 0 : i32
      %dma_start3A_39 = tpu.memref_slice %arg2[%add3A_37, %dma_start3A_38] : memref<120000x256xf32, #tpu.memory_space<hbm>> -> memref<440x256xf32, #tpu.memory_space<hbm>>
      %dma_start3A_40 = arith.constant 0 : i32
      %dma_start3A_41 = tpu.memref_slice %arg2[%add3A_37, %dma_start3A_40] : memref<120000x256xf32, #tpu.memory_space<hbm>> -> memref<440x256xf32, #tpu.memory_space<hbm>>
      tpu.enqueue_dma source(%arg3 : memref<440x256xf32, #tpu.memory_space<vmem>>) target(%dma_start3A_41 : memref<440x256xf32, #tpu.memory_space<hbm>>) target_semaphore(%arg4 : memref<!tpu.dma_semaphore, #tpu.memory_space<semaphore_mem>>)
      %dma_wait3A = arith.constant 0 : i32
      %dma_wait3A_42 = tpu.memref_slice %arg2[%add3A_14, %dma_wait3A] : memref<120000x256xf32, #tpu.memory_space<hbm>> -> memref<440x256xf32, #tpu.memory_space<hbm>>
      %dma_wait3A_43 = arith.constant 0 : i32
      %dma_wait3A_44 = tpu.memref_slice %arg2[%add3A_14, %dma_wait3A_43] : memref<120000x256xf32, #tpu.memory_space<hbm>> -> memref<440x256xf32, #tpu.memory_space<hbm>>
      tpu.wait_dma2 semaphore(%arg4 : memref<!tpu.dma_semaphore, #tpu.memory_space<semaphore_mem>>) src(%arg3 : memref<440x256xf32, #tpu.memory_space<vmem>>) dst(%dma_wait3A_44 : memref<440x256xf32, #tpu.memory_space<hbm>>)
      %dma_wait3A_45 = arith.constant 0 : i32
      %dma_wait3A_46 = tpu.memref_slice %arg2[%add3A_19, %dma_wait3A_45] : memref<120000x256xf32, #tpu.memory_space<hbm>> -> memref<440x256xf32, #tpu.memory_space<hbm>>
      %dma_wait3A_47 = arith.constant 0 : i32
      %dma_wait3A_48 = tpu.memref_slice %arg2[%add3A_19, %dma_wait3A_47] : memref<120000x256xf32, #tpu.memory_space<hbm>> -> memref<440x256xf32, #tpu.memory_space<hbm>>
      tpu.wait_dma2 semaphore(%arg4 : memref<!tpu.dma_semaphore, #tpu.memory_space<semaphore_mem>>) src(%arg3 : memref<440x256xf32, #tpu.memory_space<vmem>>) dst(%dma_wait3A_48 : memref<440x256xf32, #tpu.memory_space<hbm>>)
      %dma_wait3A_49 = arith.constant 0 : i32
      %dma_wait3A_50 = tpu.memref_slice %arg2[%add3A_25, %dma_wait3A_49] : memref<120000x256xf32, #tpu.memory_space<hbm>> -> memref<440x256xf32, #tpu.memory_space<hbm>>
      %dma_wait3A_51 = arith.constant 0 : i32
      %dma_wait3A_52 = tpu.memref_slice %arg2[%add3A_25, %dma_wait3A_51] : memref<120000x256xf32, #tpu.memory_space<hbm>> -> memref<440x256xf32, #tpu.memory_space<hbm>>
      tpu.wait_dma2 semaphore(%arg4 : memref<!tpu.dma_semaphore, #tpu.memory_space<semaphore_mem>>) src(%arg3 : memref<440x256xf32, #tpu.memory_space<vmem>>) dst(%dma_wait3A_52 : memref<440x256xf32, #tpu.memory_space<hbm>>)
      %dma_wait3A_53 = arith.constant 0 : i32
      %dma_wait3A_54 = tpu.memref_slice %arg2[%add3A_31, %dma_wait3A_53] : memref<120000x256xf32, #tpu.memory_space<hbm>> -> memref<440x256xf32, #tpu.memory_space<hbm>>
      %dma_wait3A_55 = arith.constant 0 : i32
      %dma_wait3A_56 = tpu.memref_slice %arg2[%add3A_31, %dma_wait3A_55] : memref<120000x256xf32, #tpu.memory_space<hbm>> -> memref<440x256xf32, #tpu.memory_space<hbm>>
      tpu.wait_dma2 semaphore(%arg4 : memref<!tpu.dma_semaphore, #tpu.memory_space<semaphore_mem>>) src(%arg3 : memref<440x256xf32, #tpu.memory_space<vmem>>) dst(%dma_wait3A_56 : memref<440x256xf32, #tpu.memory_space<hbm>>)
      %dma_wait3A_57 = arith.constant 0 : i32
      %dma_wait3A_58 = tpu.memref_slice %arg2[%add3A_37, %dma_wait3A_57] : memref<120000x256xf32, #tpu.memory_space<hbm>> -> memref<440x256xf32, #tpu.memory_space<hbm>>
      %dma_wait3A_59 = arith.constant 0 : i32
      %dma_wait3A_60 = tpu.memref_slice %arg2[%add3A_37, %dma_wait3A_59] : memref<120000x256xf32, #tpu.memory_space<hbm>> -> memref<440x256xf32, #tpu.memory_space<hbm>>
      tpu.wait_dma2 semaphore(%arg4 : memref<!tpu.dma_semaphore, #tpu.memory_space<semaphore_mem>>) src(%arg3 : memref<440x256xf32, #tpu.memory_space<vmem>>) dst(%dma_wait3A_60 : memref<440x256xf32, #tpu.memory_space<hbm>>)
    } else {
    }
    return
  }
}

module attributes {stable_mosaic.version = 14 : i64} {
  func.func @_tc_out1_body(%arg0: memref<1x256xf32, #tpu.memory_space<vmem>>, %arg1: memref<120000x256xf32, #tpu.memory_space<hbm>>, %arg2: memref<2400x256xf32, #tpu.memory_space<vmem>>, %arg3: memref<2400x256xf32, #tpu.memory_space<vmem>>, %arg4: memref<2400x256xf32, #tpu.memory_space<vmem>>, %arg5: memref<!tpu.dma_semaphore, #tpu.memory_space<semaphore_mem>>) attributes {dimension_semantics = [], scalar_prefetch = 0 : i64, scratch_operands = 4 : i64, tpu.core_type = #tpu.core_type<tc>} {
    %get3A = arith.constant 0 : index
    %get3A_0 = arith.constant 0 : index
    %get3A_1 = vector.load %arg0[%get3A, %get3A_0] : memref<1x256xf32, #tpu.memory_space<vmem>>, vector<1x256xf32>
    %iota3A = tpu.iota {dimensions = array<i32: 0>} : vector<2400x1xi32>
    %broadcast_in_dim3A = arith.constant 0.000000e+00 : f32
    %broadcast_in_dim3A_2 = vector.broadcast %broadcast_in_dim3A : f32 to vector<2400x256xf32>
    %swap3A = arith.constant 0 : index
    %swap3A_3 = arith.constant 0 : index
    %swap3A_4 = vector.load %arg2[%swap3A, %swap3A_3] : memref<2400x256xf32, #tpu.memory_space<vmem>>, vector<2400x256xf32>
    tpu.vector_store %arg2[%swap3A, %swap3A_3], %broadcast_in_dim3A_2 {strides = array<i32>} : memref<2400x256xf32, #tpu.memory_space<vmem>>, vector<2400x256xf32>,
    %eq3A = arith.constant 3 : i32
    %eq3A_5 = vector.broadcast %eq3A : i32 to vector<2400x1xi32>
    %eq3A_6 = arith.cmpi eq, %iota3A, %eq3A_5 : vector<2400x1xi32>
    %eq3A_7 = arith.constant 10 : i32
    %eq3A_8 = vector.broadcast %eq3A_7 : i32 to vector<2400x1xi32>
    %eq3A_9 = arith.cmpi eq, %iota3A, %eq3A_8 : vector<2400x1xi32>
    %or3A = arith.ori %eq3A_6, %eq3A_9 : vector<2400x1xi1>
    %jit3A = arith.constant 0.000000e+00 : f32
    %broadcast_in_dim3A_10 = vector.shape_cast %or3A : vector<2400x1xi1> to vector<2400x1xi1>
    %broadcast_in_dim3A_11 = vector.broadcast %broadcast_in_dim3A_10 : vector<2400x1xi1> to vector<2400x256xi1>
    %broadcast_in_dim3A_12 = vector.shape_cast %get3A_1 : vector<1x256xf32> to vector<1x256xf32>
    %broadcast_in_dim3A_13 = vector.broadcast %broadcast_in_dim3A_12 : vector<1x256xf32> to vector<2400x256xf32>
    %broadcast_in_dim3A_14 = vector.broadcast %jit3A : f32 to vector<2400x256xf32>
    %select_n3A = arith.select %broadcast_in_dim3A_11, %broadcast_in_dim3A_13, %broadcast_in_dim3A_14 : vector<2400x256xi1>, vector<2400x256xf32>
    %swap3A_15 = arith.constant 0 : index
    %swap3A_16 = arith.constant 0 : index
    %swap3A_17 = vector.load %arg3[%swap3A_15, %swap3A_16] : memref<2400x256xf32, #tpu.memory_space<vmem>>, vector<2400x256xf32>
    tpu.vector_store %arg3[%swap3A_15, %swap3A_16], %select_n3A {strides = array<i32>} : memref<2400x256xf32, #tpu.memory_space<vmem>>, vector<2400x256xf32>,
    %eq3A_18 = arith.constant 89 : i32
    %eq3A_19 = vector.broadcast %eq3A_18 : i32 to vector<2400x1xi32>
    %eq3A_20 = arith.cmpi eq, %iota3A, %eq3A_19 : vector<2400x1xi32>
    %jit3A_21 = arith.constant 0.000000e+00 : f32
    %broadcast_in_dim3A_22 = vector.shape_cast %eq3A_20 : vector<2400x1xi1> to vector<2400x1xi1>
    %broadcast_in_dim3A_23 = vector.broadcast %broadcast_in_dim3A_22 : vector<2400x1xi1> to vector<2400x256xi1>
    %broadcast_in_dim3A_24 = vector.shape_cast %get3A_1 : vector<1x256xf32> to vector<1x256xf32>
    %broadcast_in_dim3A_25 = vector.broadcast %broadcast_in_dim3A_24 : vector<1x256xf32> to vector<2400x256xf32>
    %broadcast_in_dim3A_26 = vector.broadcast %jit3A_21 : f32 to vector<2400x256xf32>
    %select_n3A_27 = arith.select %broadcast_in_dim3A_23, %broadcast_in_dim3A_25, %broadcast_in_dim3A_26 : vector<2400x256xi1>, vector<2400x256xf32>
    %swap3A_28 = arith.constant 0 : index
    %swap3A_29 = arith.constant 0 : index
    %swap3A_30 = vector.load %arg4[%swap3A_28, %swap3A_29] : memref<2400x256xf32, #tpu.memory_space<vmem>>, vector<2400x256xf32>
    tpu.vector_store %arg4[%swap3A_28, %swap3A_29], %select_n3A_27 {strides = array<i32>} : memref<2400x256xf32, #tpu.memory_space<vmem>>, vector<2400x256xf32>,
    %dma_start3A = arith.constant 0 : i32
    %dma_start3A_31 = arith.constant 0 : i32
    %dma_start3A_32 = tpu.memref_slice %arg1[%dma_start3A, %dma_start3A_31] : memref<120000x256xf32, #tpu.memory_space<hbm>> -> memref<2400x256xf32, #tpu.memory_space<hbm>>
    tpu.enqueue_dma source(%arg3 : memref<2400x256xf32, #tpu.memory_space<vmem>>) target(%dma_start3A_32 : memref<2400x256xf32, #tpu.memory_space<hbm>>) target_semaphore(%arg5 : memref<!tpu.dma_semaphore, #tpu.memory_space<semaphore_mem>>)
    %dma_start3A_33 = arith.constant 2400 : i32
    %dma_start3A_34 = arith.constant 0 : i32
    %dma_start3A_35 = tpu.memref_slice %arg1[%dma_start3A_33, %dma_start3A_34] : memref<120000x256xf32, #tpu.memory_space<hbm>> -> memref<2400x256xf32, #tpu.memory_space<hbm>>
    tpu.enqueue_dma source(%arg2 : memref<2400x256xf32, #tpu.memory_space<vmem>>) target(%dma_start3A_35 : memref<2400x256xf32, #tpu.memory_space<hbm>>) target_semaphore(%arg5 : memref<!tpu.dma_semaphore, #tpu.memory_space<semaphore_mem>>)
    %dma_start3A_36 = arith.constant 4800 : i32
    %dma_start3A_37 = arith.constant 0 : i32
    %dma_start3A_38 = tpu.memref_slice %arg1[%dma_start3A_36, %dma_start3A_37] : memref<120000x256xf32, #tpu.memory_space<hbm>> -> memref<2400x256xf32, #tpu.memory_space<hbm>>
    tpu.enqueue_dma source(%arg2 : memref<2400x256xf32, #tpu.memory_space<vmem>>) target(%dma_start3A_38 : memref<2400x256xf32, #tpu.memory_space<hbm>>) target_semaphore(%arg5 : memref<!tpu.dma_semaphore, #tpu.memory_space<semaphore_mem>>)
    %dma_start3A_39 = arith.constant 7200 : i32
    %dma_start3A_40 = arith.constant 0 : i32
    %dma_start3A_41 = tpu.memref_slice %arg1[%dma_start3A_39, %dma_start3A_40] : memref<120000x256xf32, #tpu.memory_space<hbm>> -> memref<2400x256xf32, #tpu.memory_space<hbm>>
    tpu.enqueue_dma source(%arg2 : memref<2400x256xf32, #tpu.memory_space<vmem>>) target(%dma_start3A_41 : memref<2400x256xf32, #tpu.memory_space<hbm>>) target_semaphore(%arg5 : memref<!tpu.dma_semaphore, #tpu.memory_space<semaphore_mem>>)
    %dma_start3A_42 = arith.constant 9600 : i32
    %dma_start3A_43 = arith.constant 0 : i32
    %dma_start3A_44 = tpu.memref_slice %arg1[%dma_start3A_42, %dma_start3A_43] : memref<120000x256xf32, #tpu.memory_space<hbm>> -> memref<2400x256xf32, #tpu.memory_space<hbm>>
    tpu.enqueue_dma source(%arg2 : memref<2400x256xf32, #tpu.memory_space<vmem>>) target(%dma_start3A_44 : memref<2400x256xf32, #tpu.memory_space<hbm>>) target_semaphore(%arg5 : memref<!tpu.dma_semaphore, #tpu.memory_space<semaphore_mem>>)
    %dma_start3A_45 = arith.constant 12000 : i32
    %dma_start3A_46 = arith.constant 0 : i32
    %dma_start3A_47 = tpu.memref_slice %arg1[%dma_start3A_45, %dma_start3A_46] : memref<120000x256xf32, #tpu.memory_space<hbm>> -> memref<2400x256xf32, #tpu.memory_space<hbm>>
    tpu.enqueue_dma source(%arg4 : memref<2400x256xf32, #tpu.memory_space<vmem>>) target(%dma_start3A_47 : memref<2400x256xf32, #tpu.memory_space<hbm>>) target_semaphore(%arg5 : memref<!tpu.dma_semaphore, #tpu.memory_space<semaphore_mem>>)
    %dma_start3A_48 = arith.constant 14400 : i32
    %dma_start3A_49 = arith.constant 0 : i32
    %dma_start3A_50 = tpu.memref_slice %arg1[%dma_start3A_48, %dma_start3A_49] : memref<120000x256xf32, #tpu.memory_space<hbm>> -> memref<2400x256xf32, #tpu.memory_space<hbm>>
    tpu.enqueue_dma source(%arg2 : memref<2400x256xf32, #tpu.memory_space<vmem>>) target(%dma_start3A_50 : memref<2400x256xf32, #tpu.memory_space<hbm>>) target_semaphore(%arg5 : memref<!tpu.dma_semaphore, #tpu.memory_space<semaphore_mem>>)
    %dma_start3A_51 = arith.constant 16800 : i32
    %dma_start3A_52 = arith.constant 0 : i32
    %dma_start3A_53 = tpu.memref_slice %arg1[%dma_start3A_51, %dma_start3A_52] : memref<120000x256xf32, #tpu.memory_space<hbm>> -> memref<2400x256xf32, #tpu.memory_space<hbm>>
    tpu.enqueue_dma source(%arg2 : memref<2400x256xf32, #tpu.memory_space<vmem>>) target(%dma_start3A_53 : memref<2400x256xf32, #tpu.memory_space<hbm>>) target_semaphore(%arg5 : memref<!tpu.dma_semaphore, #tpu.memory_space<semaphore_mem>>)
    %dma_start3A_54 = arith.constant 19200 : i32
    %dma_start3A_55 = arith.constant 0 : i32
    %dma_start3A_56 = tpu.memref_slice %arg1[%dma_start3A_54, %dma_start3A_55] : memref<120000x256xf32, #tpu.memory_space<hbm>> -> memref<2400x256xf32, #tpu.memory_space<hbm>>
    tpu.enqueue_dma source(%arg2 : memref<2400x256xf32, #tpu.memory_space<vmem>>) target(%dma_start3A_56 : memref<2400x256xf32, #tpu.memory_space<hbm>>) target_semaphore(%arg5 : memref<!tpu.dma_semaphore, #tpu.memory_space<semaphore_mem>>)
    %dma_start3A_57 = arith.constant 21600 : i32
    %dma_start3A_58 = arith.constant 0 : i32
    %dma_start3A_59 = tpu.memref_slice %arg1[%dma_start3A_57, %dma_start3A_58] : memref<120000x256xf32, #tpu.memory_space<hbm>> -> memref<2400x256xf32, #tpu.memory_space<hbm>>
    tpu.enqueue_dma source(%arg2 : memref<2400x256xf32, #tpu.memory_space<vmem>>) target(%dma_start3A_59 : memref<2400x256xf32, #tpu.memory_space<hbm>>) target_semaphore(%arg5 : memref<!tpu.dma_semaphore, #tpu.memory_space<semaphore_mem>>)
    %dma_start3A_60 = arith.constant 24000 : i32
    %dma_start3A_61 = arith.constant 0 : i32
    %dma_start3A_62 = tpu.memref_slice %arg1[%dma_start3A_60, %dma_start3A_61] : memref<120000x256xf32, #tpu.memory_space<hbm>> -> memref<2400x256xf32, #tpu.memory_space<hbm>>
    tpu.enqueue_dma source(%arg2 : memref<2400x256xf32, #tpu.memory_space<vmem>>) target(%dma_start3A_62 : memref<2400x256xf32, #tpu.memory_space<hbm>>) target_semaphore(%arg5 : memref<!tpu.dma_semaphore, #tpu.memory_space<semaphore_mem>>)
    %dma_start3A_63 = arith.constant 26400 : i32
    %dma_start3A_64 = arith.constant 0 : i32
    %dma_start3A_65 = tpu.memref_slice %arg1[%dma_start3A_63, %dma_start3A_64] : memref<120000x256xf32, #tpu.memory_space<hbm>> -> memref<2400x256xf32, #tpu.memory_space<hbm>>
    tpu.enqueue_dma source(%arg2 : memref<2400x256xf32, #tpu.memory_space<vmem>>) target(%dma_start3A_65 : memref<2400x256xf32, #tpu.memory_space<hbm>>) target_semaphore(%arg5 : memref<!tpu.dma_semaphore, #tpu.memory_space<semaphore_mem>>)
    %dma_start3A_66 = arith.constant 28800 : i32
    %dma_start3A_67 = arith.constant 0 : i32
    %dma_start3A_68 = tpu.memref_slice %arg1[%dma_start3A_66, %dma_start3A_67] : memref<120000x256xf32, #tpu.memory_space<hbm>> -> memref<2400x256xf32, #tpu.memory_space<hbm>>
    tpu.enqueue_dma source(%arg2 : memref<2400x256xf32, #tpu.memory_space<vmem>>) target(%dma_start3A_68 : memref<2400x256xf32, #tpu.memory_space<hbm>>) target_semaphore(%arg5 : memref<!tpu.dma_semaphore, #tpu.memory_space<semaphore_mem>>)
    %dma_start3A_69 = arith.constant 31200 : i32
    %dma_start3A_70 = arith.constant 0 : i32
    %dma_start3A_71 = tpu.memref_slice %arg1[%dma_start3A_69, %dma_start3A_70] : memref<120000x256xf32, #tpu.memory_space<hbm>> -> memref<2400x256xf32, #tpu.memory_space<hbm>>
    tpu.enqueue_dma source(%arg2 : memref<2400x256xf32, #tpu.memory_space<vmem>>) target(%dma_start3A_71 : memref<2400x256xf32, #tpu.memory_space<hbm>>) target_semaphore(%arg5 : memref<!tpu.dma_semaphore, #tpu.memory_space<semaphore_mem>>)
    %dma_start3A_72 = arith.constant 33600 : i32
    %dma_start3A_73 = arith.constant 0 : i32
    %dma_start3A_74 = tpu.memref_slice %arg1[%dma_start3A_72, %dma_start3A_73] : memref<120000x256xf32, #tpu.memory_space<hbm>> -> memref<2400x256xf32, #tpu.memory_space<hbm>>
    tpu.enqueue_dma source(%arg2 : memref<2400x256xf32, #tpu.memory_space<vmem>>) target(%dma_start3A_74 : memref<2400x256xf32, #tpu.memory_space<hbm>>) target_semaphore(%arg5 : memref<!tpu.dma_semaphore, #tpu.memory_space<semaphore_mem>>)
    %dma_start3A_75 = arith.constant 36000 : i32
    %dma_start3A_76 = arith.constant 0 : i32
    %dma_start3A_77 = tpu.memref_slice %arg1[%dma_start3A_75, %dma_start3A_76] : memref<120000x256xf32, #tpu.memory_space<hbm>> -> memref<2400x256xf32, #tpu.memory_space<hbm>>
    tpu.enqueue_dma source(%arg2 : memref<2400x256xf32, #tpu.memory_space<vmem>>) target(%dma_start3A_77 : memref<2400x256xf32, #tpu.memory_space<hbm>>) target_semaphore(%arg5 : memref<!tpu.dma_semaphore, #tpu.memory_space<semaphore_mem>>)
    %dma_start3A_78 = arith.constant 38400 : i32
    %dma_start3A_79 = arith.constant 0 : i32
    %dma_start3A_80 = tpu.memref_slice %arg1[%dma_start3A_78, %dma_start3A_79] : memref<120000x256xf32, #tpu.memory_space<hbm>> -> memref<2400x256xf32, #tpu.memory_space<hbm>>
    tpu.enqueue_dma source(%arg2 : memref<2400x256xf32, #tpu.memory_space<vmem>>) target(%dma_start3A_80 : memref<2400x256xf32, #tpu.memory_space<hbm>>) target_semaphore(%arg5 : memref<!tpu.dma_semaphore, #tpu.memory_space<semaphore_mem>>)
    %dma_start3A_81 = arith.constant 40800 : i32
    %dma_start3A_82 = arith.constant 0 : i32
    %dma_start3A_83 = tpu.memref_slice %arg1[%dma_start3A_81, %dma_start3A_82] : memref<120000x256xf32, #tpu.memory_space<hbm>> -> memref<2400x256xf32, #tpu.memory_space<hbm>>
    tpu.enqueue_dma source(%arg2 : memref<2400x256xf32, #tpu.memory_space<vmem>>) target(%dma_start3A_83 : memref<2400x256xf32, #tpu.memory_space<hbm>>) target_semaphore(%arg5 : memref<!tpu.dma_semaphore, #tpu.memory_space<semaphore_mem>>)
    %dma_start3A_84 = arith.constant 43200 : i32
    %dma_start3A_85 = arith.constant 0 : i32
    %dma_start3A_86 = tpu.memref_slice %arg1[%dma_start3A_84, %dma_start3A_85] : memref<120000x256xf32, #tpu.memory_space<hbm>> -> memref<2400x256xf32, #tpu.memory_space<hbm>>
    tpu.enqueue_dma source(%arg2 : memref<2400x256xf32, #tpu.memory_space<vmem>>) target(%dma_start3A_86 : memref<2400x256xf32, #tpu.memory_space<hbm>>) target_semaphore(%arg5 : memref<!tpu.dma_semaphore, #tpu.memory_space<semaphore_mem>>)
    %dma_start3A_87 = arith.constant 45600 : i32
    %dma_start3A_88 = arith.constant 0 : i32
    %dma_start3A_89 = tpu.memref_slice %arg1[%dma_start3A_87, %dma_start3A_88] : memref<120000x256xf32, #tpu.memory_space<hbm>> -> memref<2400x256xf32, #tpu.memory_space<hbm>>
    tpu.enqueue_dma source(%arg2 : memref<2400x256xf32, #tpu.memory_space<vmem>>) target(%dma_start3A_89 : memref<2400x256xf32, #tpu.memory_space<hbm>>) target_semaphore(%arg5 : memref<!tpu.dma_semaphore, #tpu.memory_space<semaphore_mem>>)
    %dma_start3A_90 = arith.constant 48000 : i32
    %dma_start3A_91 = arith.constant 0 : i32
    %dma_start3A_92 = tpu.memref_slice %arg1[%dma_start3A_90, %dma_start3A_91] : memref<120000x256xf32, #tpu.memory_space<hbm>> -> memref<2400x256xf32, #tpu.memory_space<hbm>>
    tpu.enqueue_dma source(%arg2 : memref<2400x256xf32, #tpu.memory_space<vmem>>) target(%dma_start3A_92 : memref<2400x256xf32, #tpu.memory_space<hbm>>) target_semaphore(%arg5 : memref<!tpu.dma_semaphore, #tpu.memory_space<semaphore_mem>>)
    %dma_start3A_93 = arith.constant 50400 : i32
    %dma_start3A_94 = arith.constant 0 : i32
    %dma_start3A_95 = tpu.memref_slice %arg1[%dma_start3A_93, %dma_start3A_94] : memref<120000x256xf32, #tpu.memory_space<hbm>> -> memref<2400x256xf32, #tpu.memory_space<hbm>>
    tpu.enqueue_dma source(%arg2 : memref<2400x256xf32, #tpu.memory_space<vmem>>) target(%dma_start3A_95 : memref<2400x256xf32, #tpu.memory_space<hbm>>) target_semaphore(%arg5 : memref<!tpu.dma_semaphore, #tpu.memory_space<semaphore_mem>>)
    %dma_start3A_96 = arith.constant 52800 : i32
    %dma_start3A_97 = arith.constant 0 : i32
    %dma_start3A_98 = tpu.memref_slice %arg1[%dma_start3A_96, %dma_start3A_97] : memref<120000x256xf32, #tpu.memory_space<hbm>> -> memref<2400x256xf32, #tpu.memory_space<hbm>>
    tpu.enqueue_dma source(%arg2 : memref<2400x256xf32, #tpu.memory_space<vmem>>) target(%dma_start3A_98 : memref<2400x256xf32, #tpu.memory_space<hbm>>) target_semaphore(%arg5 : memref<!tpu.dma_semaphore, #tpu.memory_space<semaphore_mem>>)
    %dma_start3A_99 = arith.constant 55200 : i32
    %dma_start3A_100 = arith.constant 0 : i32
    %dma_start3A_101 = tpu.memref_slice %arg1[%dma_start3A_99, %dma_start3A_100] : memref<120000x256xf32, #tpu.memory_space<hbm>> -> memref<2400x256xf32, #tpu.memory_space<hbm>>
    tpu.enqueue_dma source(%arg2 : memref<2400x256xf32, #tpu.memory_space<vmem>>) target(%dma_start3A_101 : memref<2400x256xf32, #tpu.memory_space<hbm>>) target_semaphore(%arg5 : memref<!tpu.dma_semaphore, #tpu.memory_space<semaphore_mem>>)
    %dma_start3A_102 = arith.constant 57600 : i32
    %dma_start3A_103 = arith.constant 0 : i32
    %dma_start3A_104 = tpu.memref_slice %arg1[%dma_start3A_102, %dma_start3A_103] : memref<120000x256xf32, #tpu.memory_space<hbm>> -> memref<2400x256xf32, #tpu.memory_space<hbm>>
    tpu.enqueue_dma source(%arg2 : memref<2400x256xf32, #tpu.memory_space<vmem>>) target(%dma_start3A_104 : memref<2400x256xf32, #tpu.memory_space<hbm>>) target_semaphore(%arg5 : memref<!tpu.dma_semaphore, #tpu.memory_space<semaphore_mem>>)
    %dma_start3A_105 = arith.constant 60000 : i32
    %dma_start3A_106 = arith.constant 0 : i32
    %dma_start3A_107 = tpu.memref_slice %arg1[%dma_start3A_105, %dma_start3A_106] : memref<120000x256xf32, #tpu.memory_space<hbm>> -> memref<2400x256xf32, #tpu.memory_space<hbm>>
    tpu.enqueue_dma source(%arg2 : memref<2400x256xf32, #tpu.memory_space<vmem>>) target(%dma_start3A_107 : memref<2400x256xf32, #tpu.memory_space<hbm>>) target_semaphore(%arg5 : memref<!tpu.dma_semaphore, #tpu.memory_space<semaphore_mem>>)
    %dma_start3A_108 = arith.constant 62400 : i32
    %dma_start3A_109 = arith.constant 0 : i32
    %dma_start3A_110 = tpu.memref_slice %arg1[%dma_start3A_108, %dma_start3A_109] : memref<120000x256xf32, #tpu.memory_space<hbm>> -> memref<2400x256xf32, #tpu.memory_space<hbm>>
    tpu.enqueue_dma source(%arg2 : memref<2400x256xf32, #tpu.memory_space<vmem>>) target(%dma_start3A_110 : memref<2400x256xf32, #tpu.memory_space<hbm>>) target_semaphore(%arg5 : memref<!tpu.dma_semaphore, #tpu.memory_space<semaphore_mem>>)
    %dma_start3A_111 = arith.constant 64800 : i32
    %dma_start3A_112 = arith.constant 0 : i32
    %dma_start3A_113 = tpu.memref_slice %arg1[%dma_start3A_111, %dma_start3A_112] : memref<120000x256xf32, #tpu.memory_space<hbm>> -> memref<2400x256xf32, #tpu.memory_space<hbm>>
    tpu.enqueue_dma source(%arg2 : memref<2400x256xf32, #tpu.memory_space<vmem>>) target(%dma_start3A_113 : memref<2400x256xf32, #tpu.memory_space<hbm>>) target_semaphore(%arg5 : memref<!tpu.dma_semaphore, #tpu.memory_space<semaphore_mem>>)
    %dma_start3A_114 = arith.constant 67200 : i32
    %dma_start3A_115 = arith.constant 0 : i32
    %dma_start3A_116 = tpu.memref_slice %arg1[%dma_start3A_114, %dma_start3A_115] : memref<120000x256xf32, #tpu.memory_space<hbm>> -> memref<2400x256xf32, #tpu.memory_space<hbm>>
    tpu.enqueue_dma source(%arg2 : memref<2400x256xf32, #tpu.memory_space<vmem>>) target(%dma_start3A_116 : memref<2400x256xf32, #tpu.memory_space<hbm>>) target_semaphore(%arg5 : memref<!tpu.dma_semaphore, #tpu.memory_space<semaphore_mem>>)
    %dma_start3A_117 = arith.constant 69600 : i32
    %dma_start3A_118 = arith.constant 0 : i32
    %dma_start3A_119 = tpu.memref_slice %arg1[%dma_start3A_117, %dma_start3A_118] : memref<120000x256xf32, #tpu.memory_space<hbm>> -> memref<2400x256xf32, #tpu.memory_space<hbm>>
    tpu.enqueue_dma source(%arg2 : memref<2400x256xf32, #tpu.memory_space<vmem>>) target(%dma_start3A_119 : memref<2400x256xf32, #tpu.memory_space<hbm>>) target_semaphore(%arg5 : memref<!tpu.dma_semaphore, #tpu.memory_space<semaphore_mem>>)
    %dma_start3A_120 = arith.constant 72000 : i32
    %dma_start3A_121 = arith.constant 0 : i32
    %dma_start3A_122 = tpu.memref_slice %arg1[%dma_start3A_120, %dma_start3A_121] : memref<120000x256xf32, #tpu.memory_space<hbm>> -> memref<2400x256xf32, #tpu.memory_space<hbm>>
    tpu.enqueue_dma source(%arg2 : memref<2400x256xf32, #tpu.memory_space<vmem>>) target(%dma_start3A_122 : memref<2400x256xf32, #tpu.memory_space<hbm>>) target_semaphore(%arg5 : memref<!tpu.dma_semaphore, #tpu.memory_space<semaphore_mem>>)
    %dma_start3A_123 = arith.constant 74400 : i32
    %dma_start3A_124 = arith.constant 0 : i32
    %dma_start3A_125 = tpu.memref_slice %arg1[%dma_start3A_123, %dma_start3A_124] : memref<120000x256xf32, #tpu.memory_space<hbm>> -> memref<2400x256xf32, #tpu.memory_space<hbm>>
    tpu.enqueue_dma source(%arg2 : memref<2400x256xf32, #tpu.memory_space<vmem>>) target(%dma_start3A_125 : memref<2400x256xf32, #tpu.memory_space<hbm>>) target_semaphore(%arg5 : memref<!tpu.dma_semaphore, #tpu.memory_space<semaphore_mem>>)
    %dma_start3A_126 = arith.constant 76800 : i32
    %dma_start3A_127 = arith.constant 0 : i32
    %dma_start3A_128 = tpu.memref_slice %arg1[%dma_start3A_126, %dma_start3A_127] : memref<120000x256xf32, #tpu.memory_space<hbm>> -> memref<2400x256xf32, #tpu.memory_space<hbm>>
    tpu.enqueue_dma source(%arg2 : memref<2400x256xf32, #tpu.memory_space<vmem>>) target(%dma_start3A_128 : memref<2400x256xf32, #tpu.memory_space<hbm>>) target_semaphore(%arg5 : memref<!tpu.dma_semaphore, #tpu.memory_space<semaphore_mem>>)
    %dma_start3A_129 = arith.constant 79200 : i32
    %dma_start3A_130 = arith.constant 0 : i32
    %dma_start3A_131 = tpu.memref_slice %arg1[%dma_start3A_129, %dma_start3A_130] : memref<120000x256xf32, #tpu.memory_space<hbm>> -> memref<2400x256xf32, #tpu.memory_space<hbm>>
    tpu.enqueue_dma source(%arg2 : memref<2400x256xf32, #tpu.memory_space<vmem>>) target(%dma_start3A_131 : memref<2400x256xf32, #tpu.memory_space<hbm>>) target_semaphore(%arg5 : memref<!tpu.dma_semaphore, #tpu.memory_space<semaphore_mem>>)
    %dma_start3A_132 = arith.constant 81600 : i32
    %dma_start3A_133 = arith.constant 0 : i32
    %dma_start3A_134 = tpu.memref_slice %arg1[%dma_start3A_132, %dma_start3A_133] : memref<120000x256xf32, #tpu.memory_space<hbm>> -> memref<2400x256xf32, #tpu.memory_space<hbm>>
    tpu.enqueue_dma source(%arg2 : memref<2400x256xf32, #tpu.memory_space<vmem>>) target(%dma_start3A_134 : memref<2400x256xf32, #tpu.memory_space<hbm>>) target_semaphore(%arg5 : memref<!tpu.dma_semaphore, #tpu.memory_space<semaphore_mem>>)
    %dma_start3A_135 = arith.constant 84000 : i32
    %dma_start3A_136 = arith.constant 0 : i32
    %dma_start3A_137 = tpu.memref_slice %arg1[%dma_start3A_135, %dma_start3A_136] : memref<120000x256xf32, #tpu.memory_space<hbm>> -> memref<2400x256xf32, #tpu.memory_space<hbm>>
    tpu.enqueue_dma source(%arg2 : memref<2400x256xf32, #tpu.memory_space<vmem>>) target(%dma_start3A_137 : memref<2400x256xf32, #tpu.memory_space<hbm>>) target_semaphore(%arg5 : memref<!tpu.dma_semaphore, #tpu.memory_space<semaphore_mem>>)
    %dma_start3A_138 = arith.constant 86400 : i32
    %dma_start3A_139 = arith.constant 0 : i32
    %dma_start3A_140 = tpu.memref_slice %arg1[%dma_start3A_138, %dma_start3A_139] : memref<120000x256xf32, #tpu.memory_space<hbm>> -> memref<2400x256xf32, #tpu.memory_space<hbm>>
    tpu.enqueue_dma source(%arg2 : memref<2400x256xf32, #tpu.memory_space<vmem>>) target(%dma_start3A_140 : memref<2400x256xf32, #tpu.memory_space<hbm>>) target_semaphore(%arg5 : memref<!tpu.dma_semaphore, #tpu.memory_space<semaphore_mem>>)
    %dma_start3A_141 = arith.constant 88800 : i32
    %dma_start3A_142 = arith.constant 0 : i32
    %dma_start3A_143 = tpu.memref_slice %arg1[%dma_start3A_141, %dma_start3A_142] : memref<120000x256xf32, #tpu.memory_space<hbm>> -> memref<2400x256xf32, #tpu.memory_space<hbm>>
    tpu.enqueue_dma source(%arg2 : memref<2400x256xf32, #tpu.memory_space<vmem>>) target(%dma_start3A_143 : memref<2400x256xf32, #tpu.memory_space<hbm>>) target_semaphore(%arg5 : memref<!tpu.dma_semaphore, #tpu.memory_space<semaphore_mem>>)
    %dma_start3A_144 = arith.constant 91200 : i32
    %dma_start3A_145 = arith.constant 0 : i32
    %dma_start3A_146 = tpu.memref_slice %arg1[%dma_start3A_144, %dma_start3A_145] : memref<120000x256xf32, #tpu.memory_space<hbm>> -> memref<2400x256xf32, #tpu.memory_space<hbm>>
    tpu.enqueue_dma source(%arg2 : memref<2400x256xf32, #tpu.memory_space<vmem>>) target(%dma_start3A_146 : memref<2400x256xf32, #tpu.memory_space<hbm>>) target_semaphore(%arg5 : memref<!tpu.dma_semaphore, #tpu.memory_space<semaphore_mem>>)
    %dma_start3A_147 = arith.constant 93600 : i32
    %dma_start3A_148 = arith.constant 0 : i32
    %dma_start3A_149 = tpu.memref_slice %arg1[%dma_start3A_147, %dma_start3A_148] : memref<120000x256xf32, #tpu.memory_space<hbm>> -> memref<2400x256xf32, #tpu.memory_space<hbm>>
    tpu.enqueue_dma source(%arg2 : memref<2400x256xf32, #tpu.memory_space<vmem>>) target(%dma_start3A_149 : memref<2400x256xf32, #tpu.memory_space<hbm>>) target_semaphore(%arg5 : memref<!tpu.dma_semaphore, #tpu.memory_space<semaphore_mem>>)
    %dma_start3A_150 = arith.constant 96000 : i32
    %dma_start3A_151 = arith.constant 0 : i32
    %dma_start3A_152 = tpu.memref_slice %arg1[%dma_start3A_150, %dma_start3A_151] : memref<120000x256xf32, #tpu.memory_space<hbm>> -> memref<2400x256xf32, #tpu.memory_space<hbm>>
    tpu.enqueue_dma source(%arg2 : memref<2400x256xf32, #tpu.memory_space<vmem>>) target(%dma_start3A_152 : memref<2400x256xf32, #tpu.memory_space<hbm>>) target_semaphore(%arg5 : memref<!tpu.dma_semaphore, #tpu.memory_space<semaphore_mem>>)
    %dma_start3A_153 = arith.constant 98400 : i32
    %dma_start3A_154 = arith.constant 0 : i32
    %dma_start3A_155 = tpu.memref_slice %arg1[%dma_start3A_153, %dma_start3A_154] : memref<120000x256xf32, #tpu.memory_space<hbm>> -> memref<2400x256xf32, #tpu.memory_space<hbm>>
    tpu.enqueue_dma source(%arg2 : memref<2400x256xf32, #tpu.memory_space<vmem>>) target(%dma_start3A_155 : memref<2400x256xf32, #tpu.memory_space<hbm>>) target_semaphore(%arg5 : memref<!tpu.dma_semaphore, #tpu.memory_space<semaphore_mem>>)
    %dma_start3A_156 = arith.constant 100800 : i32
    %dma_start3A_157 = arith.constant 0 : i32
    %dma_start3A_158 = tpu.memref_slice %arg1[%dma_start3A_156, %dma_start3A_157] : memref<120000x256xf32, #tpu.memory_space<hbm>> -> memref<2400x256xf32, #tpu.memory_space<hbm>>
    tpu.enqueue_dma source(%arg2 : memref<2400x256xf32, #tpu.memory_space<vmem>>) target(%dma_start3A_158 : memref<2400x256xf32, #tpu.memory_space<hbm>>) target_semaphore(%arg5 : memref<!tpu.dma_semaphore, #tpu.memory_space<semaphore_mem>>)
    %dma_start3A_159 = arith.constant 103200 : i32
    %dma_start3A_160 = arith.constant 0 : i32
    %dma_start3A_161 = tpu.memref_slice %arg1[%dma_start3A_159, %dma_start3A_160] : memref<120000x256xf32, #tpu.memory_space<hbm>> -> memref<2400x256xf32, #tpu.memory_space<hbm>>
    tpu.enqueue_dma source(%arg2 : memref<2400x256xf32, #tpu.memory_space<vmem>>) target(%dma_start3A_161 : memref<2400x256xf32, #tpu.memory_space<hbm>>) target_semaphore(%arg5 : memref<!tpu.dma_semaphore, #tpu.memory_space<semaphore_mem>>)
    %dma_start3A_162 = arith.constant 105600 : i32
    %dma_start3A_163 = arith.constant 0 : i32
    %dma_start3A_164 = tpu.memref_slice %arg1[%dma_start3A_162, %dma_start3A_163] : memref<120000x256xf32, #tpu.memory_space<hbm>> -> memref<2400x256xf32, #tpu.memory_space<hbm>>
    tpu.enqueue_dma source(%arg2 : memref<2400x256xf32, #tpu.memory_space<vmem>>) target(%dma_start3A_164 : memref<2400x256xf32, #tpu.memory_space<hbm>>) target_semaphore(%arg5 : memref<!tpu.dma_semaphore, #tpu.memory_space<semaphore_mem>>)
    %dma_start3A_165 = arith.constant 108000 : i32
    %dma_start3A_166 = arith.constant 0 : i32
    %dma_start3A_167 = tpu.memref_slice %arg1[%dma_start3A_165, %dma_start3A_166] : memref<120000x256xf32, #tpu.memory_space<hbm>> -> memref<2400x256xf32, #tpu.memory_space<hbm>>
    tpu.enqueue_dma source(%arg2 : memref<2400x256xf32, #tpu.memory_space<vmem>>) target(%dma_start3A_167 : memref<2400x256xf32, #tpu.memory_space<hbm>>) target_semaphore(%arg5 : memref<!tpu.dma_semaphore, #tpu.memory_space<semaphore_mem>>)
    %dma_start3A_168 = arith.constant 110400 : i32
    %dma_start3A_169 = arith.constant 0 : i32
    %dma_start3A_170 = tpu.memref_slice %arg1[%dma_start3A_168, %dma_start3A_169] : memref<120000x256xf32, #tpu.memory_space<hbm>> -> memref<2400x256xf32, #tpu.memory_space<hbm>>
    tpu.enqueue_dma source(%arg2 : memref<2400x256xf32, #tpu.memory_space<vmem>>) target(%dma_start3A_170 : memref<2400x256xf32, #tpu.memory_space<hbm>>) target_semaphore(%arg5 : memref<!tpu.dma_semaphore, #tpu.memory_space<semaphore_mem>>)
    %dma_start3A_171 = arith.constant 112800 : i32
    %dma_start3A_172 = arith.constant 0 : i32
    %dma_start3A_173 = tpu.memref_slice %arg1[%dma_start3A_171, %dma_start3A_172] : memref<120000x256xf32, #tpu.memory_space<hbm>> -> memref<2400x256xf32, #tpu.memory_space<hbm>>
    tpu.enqueue_dma source(%arg2 : memref<2400x256xf32, #tpu.memory_space<vmem>>) target(%dma_start3A_173 : memref<2400x256xf32, #tpu.memory_space<hbm>>) target_semaphore(%arg5 : memref<!tpu.dma_semaphore, #tpu.memory_space<semaphore_mem>>)
    %dma_start3A_174 = arith.constant 115200 : i32
    %dma_start3A_175 = arith.constant 0 : i32
    %dma_start3A_176 = tpu.memref_slice %arg1[%dma_start3A_174, %dma_start3A_175] : memref<120000x256xf32, #tpu.memory_space<hbm>> -> memref<2400x256xf32, #tpu.memory_space<hbm>>
    tpu.enqueue_dma source(%arg2 : memref<2400x256xf32, #tpu.memory_space<vmem>>) target(%dma_start3A_176 : memref<2400x256xf32, #tpu.memory_space<hbm>>) target_semaphore(%arg5 : memref<!tpu.dma_semaphore, #tpu.memory_space<semaphore_mem>>)
    %dma_start3A_177 = arith.constant 117600 : i32
    %dma_start3A_178 = arith.constant 0 : i32
    %dma_start3A_179 = tpu.memref_slice %arg1[%dma_start3A_177, %dma_start3A_178] : memref<120000x256xf32, #tpu.memory_space<hbm>> -> memref<2400x256xf32, #tpu.memory_space<hbm>>
    tpu.enqueue_dma source(%arg2 : memref<2400x256xf32, #tpu.memory_space<vmem>>) target(%dma_start3A_179 : memref<2400x256xf32, #tpu.memory_space<hbm>>) target_semaphore(%arg5 : memref<!tpu.dma_semaphore, #tpu.memory_space<semaphore_mem>>)
    %dma_wait3A = arith.constant 0 : i32
    %dma_wait3A_180 = arith.constant 0 : i32
    %dma_wait3A_181 = tpu.memref_slice %arg1[%dma_wait3A, %dma_wait3A_180] : memref<120000x256xf32, #tpu.memory_space<hbm>> -> memref<2400x256xf32, #tpu.memory_space<hbm>>
    tpu.wait_dma2 semaphore(%arg5 : memref<!tpu.dma_semaphore, #tpu.memory_space<semaphore_mem>>) src(%arg3 : memref<2400x256xf32, #tpu.memory_space<vmem>>) dst(%dma_wait3A_181 : memref<2400x256xf32, #tpu.memory_space<hbm>>)
    %dma_wait3A_182 = arith.constant 2400 : i32
    %dma_wait3A_183 = arith.constant 0 : i32
    %dma_wait3A_184 = tpu.memref_slice %arg1[%dma_wait3A_182, %dma_wait3A_183] : memref<120000x256xf32, #tpu.memory_space<hbm>> -> memref<2400x256xf32, #tpu.memory_space<hbm>>
    tpu.wait_dma2 semaphore(%arg5 : memref<!tpu.dma_semaphore, #tpu.memory_space<semaphore_mem>>) src(%arg2 : memref<2400x256xf32, #tpu.memory_space<vmem>>) dst(%dma_wait3A_184 : memref<2400x256xf32, #tpu.memory_space<hbm>>)
    %dma_wait3A_185 = arith.constant 4800 : i32
    %dma_wait3A_186 = arith.constant 0 : i32
    %dma_wait3A_187 = tpu.memref_slice %arg1[%dma_wait3A_185, %dma_wait3A_186] : memref<120000x256xf32, #tpu.memory_space<hbm>> -> memref<2400x256xf32, #tpu.memory_space<hbm>>
    tpu.wait_dma2 semaphore(%arg5 : memref<!tpu.dma_semaphore, #tpu.memory_space<semaphore_mem>>) src(%arg2 : memref<2400x256xf32, #tpu.memory_space<vmem>>) dst(%dma_wait3A_187 : memref<2400x256xf32, #tpu.memory_space<hbm>>)
    %dma_wait3A_188 = arith.constant 7200 : i32
    %dma_wait3A_189 = arith.constant 0 : i32
    %dma_wait3A_190 = tpu.memref_slice %arg1[%dma_wait3A_188, %dma_wait3A_189] : memref<120000x256xf32, #tpu.memory_space<hbm>> -> memref<2400x256xf32, #tpu.memory_space<hbm>>
    tpu.wait_dma2 semaphore(%arg5 : memref<!tpu.dma_semaphore, #tpu.memory_space<semaphore_mem>>) src(%arg2 : memref<2400x256xf32, #tpu.memory_space<vmem>>) dst(%dma_wait3A_190 : memref<2400x256xf32, #tpu.memory_space<hbm>>)
    %dma_wait3A_191 = arith.constant 9600 : i32
    %dma_wait3A_192 = arith.constant 0 : i32
    %dma_wait3A_193 = tpu.memref_slice %arg1[%dma_wait3A_191, %dma_wait3A_192] : memref<120000x256xf32, #tpu.memory_space<hbm>> -> memref<2400x256xf32, #tpu.memory_space<hbm>>
    tpu.wait_dma2 semaphore(%arg5 : memref<!tpu.dma_semaphore, #tpu.memory_space<semaphore_mem>>) src(%arg2 : memref<2400x256xf32, #tpu.memory_space<vmem>>) dst(%dma_wait3A_193 : memref<2400x256xf32, #tpu.memory_space<hbm>>)
    %dma_wait3A_194 = arith.constant 12000 : i32
    %dma_wait3A_195 = arith.constant 0 : i32
    %dma_wait3A_196 = tpu.memref_slice %arg1[%dma_wait3A_194, %dma_wait3A_195] : memref<120000x256xf32, #tpu.memory_space<hbm>> -> memref<2400x256xf32, #tpu.memory_space<hbm>>
    tpu.wait_dma2 semaphore(%arg5 : memref<!tpu.dma_semaphore, #tpu.memory_space<semaphore_mem>>) src(%arg4 : memref<2400x256xf32, #tpu.memory_space<vmem>>) dst(%dma_wait3A_196 : memref<2400x256xf32, #tpu.memory_space<hbm>>)
    %dma_wait3A_197 = arith.constant 14400 : i32
    %dma_wait3A_198 = arith.constant 0 : i32
    %dma_wait3A_199 = tpu.memref_slice %arg1[%dma_wait3A_197, %dma_wait3A_198] : memref<120000x256xf32, #tpu.memory_space<hbm>> -> memref<2400x256xf32, #tpu.memory_space<hbm>>
    tpu.wait_dma2 semaphore(%arg5 : memref<!tpu.dma_semaphore, #tpu.memory_space<semaphore_mem>>) src(%arg2 : memref<2400x256xf32, #tpu.memory_space<vmem>>) dst(%dma_wait3A_199 : memref<2400x256xf32, #tpu.memory_space<hbm>>)
    %dma_wait3A_200 = arith.constant 16800 : i32
    %dma_wait3A_201 = arith.constant 0 : i32
    %dma_wait3A_202 = tpu.memref_slice %arg1[%dma_wait3A_200, %dma_wait3A_201] : memref<120000x256xf32, #tpu.memory_space<hbm>> -> memref<2400x256xf32, #tpu.memory_space<hbm>>
    tpu.wait_dma2 semaphore(%arg5 : memref<!tpu.dma_semaphore, #tpu.memory_space<semaphore_mem>>) src(%arg2 : memref<2400x256xf32, #tpu.memory_space<vmem>>) dst(%dma_wait3A_202 : memref<2400x256xf32, #tpu.memory_space<hbm>>)
    %dma_wait3A_203 = arith.constant 19200 : i32
    %dma_wait3A_204 = arith.constant 0 : i32
    %dma_wait3A_205 = tpu.memref_slice %arg1[%dma_wait3A_203, %dma_wait3A_204] : memref<120000x256xf32, #tpu.memory_space<hbm>> -> memref<2400x256xf32, #tpu.memory_space<hbm>>
    tpu.wait_dma2 semaphore(%arg5 : memref<!tpu.dma_semaphore, #tpu.memory_space<semaphore_mem>>) src(%arg2 : memref<2400x256xf32, #tpu.memory_space<vmem>>) dst(%dma_wait3A_205 : memref<2400x256xf32, #tpu.memory_space<hbm>>)
    %dma_wait3A_206 = arith.constant 21600 : i32
    %dma_wait3A_207 = arith.constant 0 : i32
    %dma_wait3A_208 = tpu.memref_slice %arg1[%dma_wait3A_206, %dma_wait3A_207] : memref<120000x256xf32, #tpu.memory_space<hbm>> -> memref<2400x256xf32, #tpu.memory_space<hbm>>
    tpu.wait_dma2 semaphore(%arg5 : memref<!tpu.dma_semaphore, #tpu.memory_space<semaphore_mem>>) src(%arg2 : memref<2400x256xf32, #tpu.memory_space<vmem>>) dst(%dma_wait3A_208 : memref<2400x256xf32, #tpu.memory_space<hbm>>)
    %dma_wait3A_209 = arith.constant 24000 : i32
    %dma_wait3A_210 = arith.constant 0 : i32
    %dma_wait3A_211 = tpu.memref_slice %arg1[%dma_wait3A_209, %dma_wait3A_210] : memref<120000x256xf32, #tpu.memory_space<hbm>> -> memref<2400x256xf32, #tpu.memory_space<hbm>>
    tpu.wait_dma2 semaphore(%arg5 : memref<!tpu.dma_semaphore, #tpu.memory_space<semaphore_mem>>) src(%arg2 : memref<2400x256xf32, #tpu.memory_space<vmem>>) dst(%dma_wait3A_211 : memref<2400x256xf32, #tpu.memory_space<hbm>>)
    %dma_wait3A_212 = arith.constant 26400 : i32
    %dma_wait3A_213 = arith.constant 0 : i32
    %dma_wait3A_214 = tpu.memref_slice %arg1[%dma_wait3A_212, %dma_wait3A_213] : memref<120000x256xf32, #tpu.memory_space<hbm>> -> memref<2400x256xf32, #tpu.memory_space<hbm>>
    tpu.wait_dma2 semaphore(%arg5 : memref<!tpu.dma_semaphore, #tpu.memory_space<semaphore_mem>>) src(%arg2 : memref<2400x256xf32, #tpu.memory_space<vmem>>) dst(%dma_wait3A_214 : memref<2400x256xf32, #tpu.memory_space<hbm>>)
    %dma_wait3A_215 = arith.constant 28800 : i32
    %dma_wait3A_216 = arith.constant 0 : i32
    %dma_wait3A_217 = tpu.memref_slice %arg1[%dma_wait3A_215, %dma_wait3A_216] : memref<120000x256xf32, #tpu.memory_space<hbm>> -> memref<2400x256xf32, #tpu.memory_space<hbm>>
    tpu.wait_dma2 semaphore(%arg5 : memref<!tpu.dma_semaphore, #tpu.memory_space<semaphore_mem>>) src(%arg2 : memref<2400x256xf32, #tpu.memory_space<vmem>>) dst(%dma_wait3A_217 : memref<2400x256xf32, #tpu.memory_space<hbm>>)
    %dma_wait3A_218 = arith.constant 31200 : i32
    %dma_wait3A_219 = arith.constant 0 : i32
    %dma_wait3A_220 = tpu.memref_slice %arg1[%dma_wait3A_218, %dma_wait3A_219] : memref<120000x256xf32, #tpu.memory_space<hbm>> -> memref<2400x256xf32, #tpu.memory_space<hbm>>
    tpu.wait_dma2 semaphore(%arg5 : memref<!tpu.dma_semaphore, #tpu.memory_space<semaphore_mem>>) src(%arg2 : memref<2400x256xf32, #tpu.memory_space<vmem>>) dst(%dma_wait3A_220 : memref<2400x256xf32, #tpu.memory_space<hbm>>)
    %dma_wait3A_221 = arith.constant 33600 : i32
    %dma_wait3A_222 = arith.constant 0 : i32
    %dma_wait3A_223 = tpu.memref_slice %arg1[%dma_wait3A_221, %dma_wait3A_222] : memref<120000x256xf32, #tpu.memory_space<hbm>> -> memref<2400x256xf32, #tpu.memory_space<hbm>>
    tpu.wait_dma2 semaphore(%arg5 : memref<!tpu.dma_semaphore, #tpu.memory_space<semaphore_mem>>) src(%arg2 : memref<2400x256xf32, #tpu.memory_space<vmem>>) dst(%dma_wait3A_223 : memref<2400x256xf32, #tpu.memory_space<hbm>>)
    %dma_wait3A_224 = arith.constant 36000 : i32
    %dma_wait3A_225 = arith.constant 0 : i32
    %dma_wait3A_226 = tpu.memref_slice %arg1[%dma_wait3A_224, %dma_wait3A_225] : memref<120000x256xf32, #tpu.memory_space<hbm>> -> memref<2400x256xf32, #tpu.memory_space<hbm>>
    tpu.wait_dma2 semaphore(%arg5 : memref<!tpu.dma_semaphore, #tpu.memory_space<semaphore_mem>>) src(%arg2 : memref<2400x256xf32, #tpu.memory_space<vmem>>) dst(%dma_wait3A_226 : memref<2400x256xf32, #tpu.memory_space<hbm>>)
    %dma_wait3A_227 = arith.constant 38400 : i32
    %dma_wait3A_228 = arith.constant 0 : i32
    %dma_wait3A_229 = tpu.memref_slice %arg1[%dma_wait3A_227, %dma_wait3A_228] : memref<120000x256xf32, #tpu.memory_space<hbm>> -> memref<2400x256xf32, #tpu.memory_space<hbm>>
    tpu.wait_dma2 semaphore(%arg5 : memref<!tpu.dma_semaphore, #tpu.memory_space<semaphore_mem>>) src(%arg2 : memref<2400x256xf32, #tpu.memory_space<vmem>>) dst(%dma_wait3A_229 : memref<2400x256xf32, #tpu.memory_space<hbm>>)
    %dma_wait3A_230 = arith.constant 40800 : i32
    %dma_wait3A_231 = arith.constant 0 : i32
    %dma_wait3A_232 = tpu.memref_slice %arg1[%dma_wait3A_230, %dma_wait3A_231] : memref<120000x256xf32, #tpu.memory_space<hbm>> -> memref<2400x256xf32, #tpu.memory_space<hbm>>
    tpu.wait_dma2 semaphore(%arg5 : memref<!tpu.dma_semaphore, #tpu.memory_space<semaphore_mem>>) src(%arg2 : memref<2400x256xf32, #tpu.memory_space<vmem>>) dst(%dma_wait3A_232 : memref<2400x256xf32, #tpu.memory_space<hbm>>)
    %dma_wait3A_233 = arith.constant 43200 : i32
    %dma_wait3A_234 = arith.constant 0 : i32
    %dma_wait3A_235 = tpu.memref_slice %arg1[%dma_wait3A_233, %dma_wait3A_234] : memref<120000x256xf32, #tpu.memory_space<hbm>> -> memref<2400x256xf32, #tpu.memory_space<hbm>>
    tpu.wait_dma2 semaphore(%arg5 : memref<!tpu.dma_semaphore, #tpu.memory_space<semaphore_mem>>) src(%arg2 : memref<2400x256xf32, #tpu.memory_space<vmem>>) dst(%dma_wait3A_235 : memref<2400x256xf32, #tpu.memory_space<hbm>>)
    %dma_wait3A_236 = arith.constant 45600 : i32
    %dma_wait3A_237 = arith.constant 0 : i32
    %dma_wait3A_238 = tpu.memref_slice %arg1[%dma_wait3A_236, %dma_wait3A_237] : memref<120000x256xf32, #tpu.memory_space<hbm>> -> memref<2400x256xf32, #tpu.memory_space<hbm>>
    tpu.wait_dma2 semaphore(%arg5 : memref<!tpu.dma_semaphore, #tpu.memory_space<semaphore_mem>>) src(%arg2 : memref<2400x256xf32, #tpu.memory_space<vmem>>) dst(%dma_wait3A_238 : memref<2400x256xf32, #tpu.memory_space<hbm>>)
    %dma_wait3A_239 = arith.constant 48000 : i32
    %dma_wait3A_240 = arith.constant 0 : i32
    %dma_wait3A_241 = tpu.memref_slice %arg1[%dma_wait3A_239, %dma_wait3A_240] : memref<120000x256xf32, #tpu.memory_space<hbm>> -> memref<2400x256xf32, #tpu.memory_space<hbm>>
    tpu.wait_dma2 semaphore(%arg5 : memref<!tpu.dma_semaphore, #tpu.memory_space<semaphore_mem>>) src(%arg2 : memref<2400x256xf32, #tpu.memory_space<vmem>>) dst(%dma_wait3A_241 : memref<2400x256xf32, #tpu.memory_space<hbm>>)
    %dma_wait3A_242 = arith.constant 50400 : i32
    %dma_wait3A_243 = arith.constant 0 : i32
    %dma_wait3A_244 = tpu.memref_slice %arg1[%dma_wait3A_242, %dma_wait3A_243] : memref<120000x256xf32, #tpu.memory_space<hbm>> -> memref<2400x256xf32, #tpu.memory_space<hbm>>
    tpu.wait_dma2 semaphore(%arg5 : memref<!tpu.dma_semaphore, #tpu.memory_space<semaphore_mem>>) src(%arg2 : memref<2400x256xf32, #tpu.memory_space<vmem>>) dst(%dma_wait3A_244 : memref<2400x256xf32, #tpu.memory_space<hbm>>)
    %dma_wait3A_245 = arith.constant 52800 : i32
    %dma_wait3A_246 = arith.constant 0 : i32
    %dma_wait3A_247 = tpu.memref_slice %arg1[%dma_wait3A_245, %dma_wait3A_246] : memref<120000x256xf32, #tpu.memory_space<hbm>> -> memref<2400x256xf32, #tpu.memory_space<hbm>>
    tpu.wait_dma2 semaphore(%arg5 : memref<!tpu.dma_semaphore, #tpu.memory_space<semaphore_mem>>) src(%arg2 : memref<2400x256xf32, #tpu.memory_space<vmem>>) dst(%dma_wait3A_247 : memref<2400x256xf32, #tpu.memory_space<hbm>>)
    %dma_wait3A_248 = arith.constant 55200 : i32
    %dma_wait3A_249 = arith.constant 0 : i32
    %dma_wait3A_250 = tpu.memref_slice %arg1[%dma_wait3A_248, %dma_wait3A_249] : memref<120000x256xf32, #tpu.memory_space<hbm>> -> memref<2400x256xf32, #tpu.memory_space<hbm>>
    tpu.wait_dma2 semaphore(%arg5 : memref<!tpu.dma_semaphore, #tpu.memory_space<semaphore_mem>>) src(%arg2 : memref<2400x256xf32, #tpu.memory_space<vmem>>) dst(%dma_wait3A_250 : memref<2400x256xf32, #tpu.memory_space<hbm>>)
    %dma_wait3A_251 = arith.constant 57600 : i32
    %dma_wait3A_252 = arith.constant 0 : i32
    %dma_wait3A_253 = tpu.memref_slice %arg1[%dma_wait3A_251, %dma_wait3A_252] : memref<120000x256xf32, #tpu.memory_space<hbm>> -> memref<2400x256xf32, #tpu.memory_space<hbm>>
    tpu.wait_dma2 semaphore(%arg5 : memref<!tpu.dma_semaphore, #tpu.memory_space<semaphore_mem>>) src(%arg2 : memref<2400x256xf32, #tpu.memory_space<vmem>>) dst(%dma_wait3A_253 : memref<2400x256xf32, #tpu.memory_space<hbm>>)
    %dma_wait3A_254 = arith.constant 60000 : i32
    %dma_wait3A_255 = arith.constant 0 : i32
    %dma_wait3A_256 = tpu.memref_slice %arg1[%dma_wait3A_254, %dma_wait3A_255] : memref<120000x256xf32, #tpu.memory_space<hbm>> -> memref<2400x256xf32, #tpu.memory_space<hbm>>
    tpu.wait_dma2 semaphore(%arg5 : memref<!tpu.dma_semaphore, #tpu.memory_space<semaphore_mem>>) src(%arg2 : memref<2400x256xf32, #tpu.memory_space<vmem>>) dst(%dma_wait3A_256 : memref<2400x256xf32, #tpu.memory_space<hbm>>)
    %dma_wait3A_257 = arith.constant 62400 : i32
    %dma_wait3A_258 = arith.constant 0 : i32
    %dma_wait3A_259 = tpu.memref_slice %arg1[%dma_wait3A_257, %dma_wait3A_258] : memref<120000x256xf32, #tpu.memory_space<hbm>> -> memref<2400x256xf32, #tpu.memory_space<hbm>>
    tpu.wait_dma2 semaphore(%arg5 : memref<!tpu.dma_semaphore, #tpu.memory_space<semaphore_mem>>) src(%arg2 : memref<2400x256xf32, #tpu.memory_space<vmem>>) dst(%dma_wait3A_259 : memref<2400x256xf32, #tpu.memory_space<hbm>>)
    %dma_wait3A_260 = arith.constant 64800 : i32
    %dma_wait3A_261 = arith.constant 0 : i32
    %dma_wait3A_262 = tpu.memref_slice %arg1[%dma_wait3A_260, %dma_wait3A_261] : memref<120000x256xf32, #tpu.memory_space<hbm>> -> memref<2400x256xf32, #tpu.memory_space<hbm>>
    tpu.wait_dma2 semaphore(%arg5 : memref<!tpu.dma_semaphore, #tpu.memory_space<semaphore_mem>>) src(%arg2 : memref<2400x256xf32, #tpu.memory_space<vmem>>) dst(%dma_wait3A_262 : memref<2400x256xf32, #tpu.memory_space<hbm>>)
    %dma_wait3A_263 = arith.constant 67200 : i32
    %dma_wait3A_264 = arith.constant 0 : i32
    %dma_wait3A_265 = tpu.memref_slice %arg1[%dma_wait3A_263, %dma_wait3A_264] : memref<120000x256xf32, #tpu.memory_space<hbm>> -> memref<2400x256xf32, #tpu.memory_space<hbm>>
    tpu.wait_dma2 semaphore(%arg5 : memref<!tpu.dma_semaphore, #tpu.memory_space<semaphore_mem>>) src(%arg2 : memref<2400x256xf32, #tpu.memory_space<vmem>>) dst(%dma_wait3A_265 : memref<2400x256xf32, #tpu.memory_space<hbm>>)
    %dma_wait3A_266 = arith.constant 69600 : i32
    %dma_wait3A_267 = arith.constant 0 : i32
    %dma_wait3A_268 = tpu.memref_slice %arg1[%dma_wait3A_266, %dma_wait3A_267] : memref<120000x256xf32, #tpu.memory_space<hbm>> -> memref<2400x256xf32, #tpu.memory_space<hbm>>
    tpu.wait_dma2 semaphore(%arg5 : memref<!tpu.dma_semaphore, #tpu.memory_space<semaphore_mem>>) src(%arg2 : memref<2400x256xf32, #tpu.memory_space<vmem>>) dst(%dma_wait3A_268 : memref<2400x256xf32, #tpu.memory_space<hbm>>)
    %dma_wait3A_269 = arith.constant 72000 : i32
    %dma_wait3A_270 = arith.constant 0 : i32
    %dma_wait3A_271 = tpu.memref_slice %arg1[%dma_wait3A_269, %dma_wait3A_270] : memref<120000x256xf32, #tpu.memory_space<hbm>> -> memref<2400x256xf32, #tpu.memory_space<hbm>>
    tpu.wait_dma2 semaphore(%arg5 : memref<!tpu.dma_semaphore, #tpu.memory_space<semaphore_mem>>) src(%arg2 : memref<2400x256xf32, #tpu.memory_space<vmem>>) dst(%dma_wait3A_271 : memref<2400x256xf32, #tpu.memory_space<hbm>>)
    %dma_wait3A_272 = arith.constant 74400 : i32
    %dma_wait3A_273 = arith.constant 0 : i32
    %dma_wait3A_274 = tpu.memref_slice %arg1[%dma_wait3A_272, %dma_wait3A_273] : memref<120000x256xf32, #tpu.memory_space<hbm>> -> memref<2400x256xf32, #tpu.memory_space<hbm>>
    tpu.wait_dma2 semaphore(%arg5 : memref<!tpu.dma_semaphore, #tpu.memory_space<semaphore_mem>>) src(%arg2 : memref<2400x256xf32, #tpu.memory_space<vmem>>) dst(%dma_wait3A_274 : memref<2400x256xf32, #tpu.memory_space<hbm>>)
    %dma_wait3A_275 = arith.constant 76800 : i32
    %dma_wait3A_276 = arith.constant 0 : i32
    %dma_wait3A_277 = tpu.memref_slice %arg1[%dma_wait3A_275, %dma_wait3A_276] : memref<120000x256xf32, #tpu.memory_space<hbm>> -> memref<2400x256xf32, #tpu.memory_space<hbm>>
    tpu.wait_dma2 semaphore(%arg5 : memref<!tpu.dma_semaphore, #tpu.memory_space<semaphore_mem>>) src(%arg2 : memref<2400x256xf32, #tpu.memory_space<vmem>>) dst(%dma_wait3A_277 : memref<2400x256xf32, #tpu.memory_space<hbm>>)
    %dma_wait3A_278 = arith.constant 79200 : i32
    %dma_wait3A_279 = arith.constant 0 : i32
    %dma_wait3A_280 = tpu.memref_slice %arg1[%dma_wait3A_278, %dma_wait3A_279] : memref<120000x256xf32, #tpu.memory_space<hbm>> -> memref<2400x256xf32, #tpu.memory_space<hbm>>
    tpu.wait_dma2 semaphore(%arg5 : memref<!tpu.dma_semaphore, #tpu.memory_space<semaphore_mem>>) src(%arg2 : memref<2400x256xf32, #tpu.memory_space<vmem>>) dst(%dma_wait3A_280 : memref<2400x256xf32, #tpu.memory_space<hbm>>)
    %dma_wait3A_281 = arith.constant 81600 : i32
    %dma_wait3A_282 = arith.constant 0 : i32
    %dma_wait3A_283 = tpu.memref_slice %arg1[%dma_wait3A_281, %dma_wait3A_282] : memref<120000x256xf32, #tpu.memory_space<hbm>> -> memref<2400x256xf32, #tpu.memory_space<hbm>>
    tpu.wait_dma2 semaphore(%arg5 : memref<!tpu.dma_semaphore, #tpu.memory_space<semaphore_mem>>) src(%arg2 : memref<2400x256xf32, #tpu.memory_space<vmem>>) dst(%dma_wait3A_283 : memref<2400x256xf32, #tpu.memory_space<hbm>>)
    %dma_wait3A_284 = arith.constant 84000 : i32
    %dma_wait3A_285 = arith.constant 0 : i32
    %dma_wait3A_286 = tpu.memref_slice %arg1[%dma_wait3A_284, %dma_wait3A_285] : memref<120000x256xf32, #tpu.memory_space<hbm>> -> memref<2400x256xf32, #tpu.memory_space<hbm>>
    tpu.wait_dma2 semaphore(%arg5 : memref<!tpu.dma_semaphore, #tpu.memory_space<semaphore_mem>>) src(%arg2 : memref<2400x256xf32, #tpu.memory_space<vmem>>) dst(%dma_wait3A_286 : memref<2400x256xf32, #tpu.memory_space<hbm>>)
    %dma_wait3A_287 = arith.constant 86400 : i32
    %dma_wait3A_288 = arith.constant 0 : i32
    %dma_wait3A_289 = tpu.memref_slice %arg1[%dma_wait3A_287, %dma_wait3A_288] : memref<120000x256xf32, #tpu.memory_space<hbm>> -> memref<2400x256xf32, #tpu.memory_space<hbm>>
    tpu.wait_dma2 semaphore(%arg5 : memref<!tpu.dma_semaphore, #tpu.memory_space<semaphore_mem>>) src(%arg2 : memref<2400x256xf32, #tpu.memory_space<vmem>>) dst(%dma_wait3A_289 : memref<2400x256xf32, #tpu.memory_space<hbm>>)
    %dma_wait3A_290 = arith.constant 88800 : i32
    %dma_wait3A_291 = arith.constant 0 : i32
    %dma_wait3A_292 = tpu.memref_slice %arg1[%dma_wait3A_290, %dma_wait3A_291] : memref<120000x256xf32, #tpu.memory_space<hbm>> -> memref<2400x256xf32, #tpu.memory_space<hbm>>
    tpu.wait_dma2 semaphore(%arg5 : memref<!tpu.dma_semaphore, #tpu.memory_space<semaphore_mem>>) src(%arg2 : memref<2400x256xf32, #tpu.memory_space<vmem>>) dst(%dma_wait3A_292 : memref<2400x256xf32, #tpu.memory_space<hbm>>)
    %dma_wait3A_293 = arith.constant 91200 : i32
    %dma_wait3A_294 = arith.constant 0 : i32
    %dma_wait3A_295 = tpu.memref_slice %arg1[%dma_wait3A_293, %dma_wait3A_294] : memref<120000x256xf32, #tpu.memory_space<hbm>> -> memref<2400x256xf32, #tpu.memory_space<hbm>>
    tpu.wait_dma2 semaphore(%arg5 : memref<!tpu.dma_semaphore, #tpu.memory_space<semaphore_mem>>) src(%arg2 : memref<2400x256xf32, #tpu.memory_space<vmem>>) dst(%dma_wait3A_295 : memref<2400x256xf32, #tpu.memory_space<hbm>>)
    %dma_wait3A_296 = arith.constant 93600 : i32
    %dma_wait3A_297 = arith.constant 0 : i32
    %dma_wait3A_298 = tpu.memref_slice %arg1[%dma_wait3A_296, %dma_wait3A_297] : memref<120000x256xf32, #tpu.memory_space<hbm>> -> memref<2400x256xf32, #tpu.memory_space<hbm>>
    tpu.wait_dma2 semaphore(%arg5 : memref<!tpu.dma_semaphore, #tpu.memory_space<semaphore_mem>>) src(%arg2 : memref<2400x256xf32, #tpu.memory_space<vmem>>) dst(%dma_wait3A_298 : memref<2400x256xf32, #tpu.memory_space<hbm>>)
    %dma_wait3A_299 = arith.constant 96000 : i32
    %dma_wait3A_300 = arith.constant 0 : i32
    %dma_wait3A_301 = tpu.memref_slice %arg1[%dma_wait3A_299, %dma_wait3A_300] : memref<120000x256xf32, #tpu.memory_space<hbm>> -> memref<2400x256xf32, #tpu.memory_space<hbm>>
    tpu.wait_dma2 semaphore(%arg5 : memref<!tpu.dma_semaphore, #tpu.memory_space<semaphore_mem>>) src(%arg2 : memref<2400x256xf32, #tpu.memory_space<vmem>>) dst(%dma_wait3A_301 : memref<2400x256xf32, #tpu.memory_space<hbm>>)
    %dma_wait3A_302 = arith.constant 98400 : i32
    %dma_wait3A_303 = arith.constant 0 : i32
    %dma_wait3A_304 = tpu.memref_slice %arg1[%dma_wait3A_302, %dma_wait3A_303] : memref<120000x256xf32, #tpu.memory_space<hbm>> -> memref<2400x256xf32, #tpu.memory_space<hbm>>
    tpu.wait_dma2 semaphore(%arg5 : memref<!tpu.dma_semaphore, #tpu.memory_space<semaphore_mem>>) src(%arg2 : memref<2400x256xf32, #tpu.memory_space<vmem>>) dst(%dma_wait3A_304 : memref<2400x256xf32, #tpu.memory_space<hbm>>)
    %dma_wait3A_305 = arith.constant 100800 : i32
    %dma_wait3A_306 = arith.constant 0 : i32
    %dma_wait3A_307 = tpu.memref_slice %arg1[%dma_wait3A_305, %dma_wait3A_306] : memref<120000x256xf32, #tpu.memory_space<hbm>> -> memref<2400x256xf32, #tpu.memory_space<hbm>>
    tpu.wait_dma2 semaphore(%arg5 : memref<!tpu.dma_semaphore, #tpu.memory_space<semaphore_mem>>) src(%arg2 : memref<2400x256xf32, #tpu.memory_space<vmem>>) dst(%dma_wait3A_307 : memref<2400x256xf32, #tpu.memory_space<hbm>>)
    %dma_wait3A_308 = arith.constant 103200 : i32
    %dma_wait3A_309 = arith.constant 0 : i32
    %dma_wait3A_310 = tpu.memref_slice %arg1[%dma_wait3A_308, %dma_wait3A_309] : memref<120000x256xf32, #tpu.memory_space<hbm>> -> memref<2400x256xf32, #tpu.memory_space<hbm>>
    tpu.wait_dma2 semaphore(%arg5 : memref<!tpu.dma_semaphore, #tpu.memory_space<semaphore_mem>>) src(%arg2 : memref<2400x256xf32, #tpu.memory_space<vmem>>) dst(%dma_wait3A_310 : memref<2400x256xf32, #tpu.memory_space<hbm>>)
    %dma_wait3A_311 = arith.constant 105600 : i32
    %dma_wait3A_312 = arith.constant 0 : i32
    %dma_wait3A_313 = tpu.memref_slice %arg1[%dma_wait3A_311, %dma_wait3A_312] : memref<120000x256xf32, #tpu.memory_space<hbm>> -> memref<2400x256xf32, #tpu.memory_space<hbm>>
    tpu.wait_dma2 semaphore(%arg5 : memref<!tpu.dma_semaphore, #tpu.memory_space<semaphore_mem>>) src(%arg2 : memref<2400x256xf32, #tpu.memory_space<vmem>>) dst(%dma_wait3A_313 : memref<2400x256xf32, #tpu.memory_space<hbm>>)
    %dma_wait3A_314 = arith.constant 108000 : i32
    %dma_wait3A_315 = arith.constant 0 : i32
    %dma_wait3A_316 = tpu.memref_slice %arg1[%dma_wait3A_314, %dma_wait3A_315] : memref<120000x256xf32, #tpu.memory_space<hbm>> -> memref<2400x256xf32, #tpu.memory_space<hbm>>
    tpu.wait_dma2 semaphore(%arg5 : memref<!tpu.dma_semaphore, #tpu.memory_space<semaphore_mem>>) src(%arg2 : memref<2400x256xf32, #tpu.memory_space<vmem>>) dst(%dma_wait3A_316 : memref<2400x256xf32, #tpu.memory_space<hbm>>)
    %dma_wait3A_317 = arith.constant 110400 : i32
    %dma_wait3A_318 = arith.constant 0 : i32
    %dma_wait3A_319 = tpu.memref_slice %arg1[%dma_wait3A_317, %dma_wait3A_318] : memref<120000x256xf32, #tpu.memory_space<hbm>> -> memref<2400x256xf32, #tpu.memory_space<hbm>>
    tpu.wait_dma2 semaphore(%arg5 : memref<!tpu.dma_semaphore, #tpu.memory_space<semaphore_mem>>) src(%arg2 : memref<2400x256xf32, #tpu.memory_space<vmem>>) dst(%dma_wait3A_319 : memref<2400x256xf32, #tpu.memory_space<hbm>>)
    %dma_wait3A_320 = arith.constant 112800 : i32
    %dma_wait3A_321 = arith.constant 0 : i32
    %dma_wait3A_322 = tpu.memref_slice %arg1[%dma_wait3A_320, %dma_wait3A_321] : memref<120000x256xf32, #tpu.memory_space<hbm>> -> memref<2400x256xf32, #tpu.memory_space<hbm>>
    tpu.wait_dma2 semaphore(%arg5 : memref<!tpu.dma_semaphore, #tpu.memory_space<semaphore_mem>>) src(%arg2 : memref<2400x256xf32, #tpu.memory_space<vmem>>) dst(%dma_wait3A_322 : memref<2400x256xf32, #tpu.memory_space<hbm>>)
    %dma_wait3A_323 = arith.constant 115200 : i32
    %dma_wait3A_324 = arith.constant 0 : i32
    %dma_wait3A_325 = tpu.memref_slice %arg1[%dma_wait3A_323, %dma_wait3A_324] : memref<120000x256xf32, #tpu.memory_space<hbm>> -> memref<2400x256xf32, #tpu.memory_space<hbm>>
    tpu.wait_dma2 semaphore(%arg5 : memref<!tpu.dma_semaphore, #tpu.memory_space<semaphore_mem>>) src(%arg2 : memref<2400x256xf32, #tpu.memory_space<vmem>>) dst(%dma_wait3A_325 : memref<2400x256xf32, #tpu.memory_space<hbm>>)
    %dma_wait3A_326 = arith.constant 117600 : i32
    %dma_wait3A_327 = arith.constant 0 : i32
    %dma_wait3A_328 = tpu.memref_slice %arg1[%dma_wait3A_326, %dma_wait3A_327] : memref<120000x256xf32, #tpu.memory_space<hbm>> -> memref<2400x256xf32, #tpu.memory_space<hbm>>
    tpu.wait_dma2 semaphore(%arg5 : memref<!tpu.dma_semaphore, #tpu.memory_space<semaphore_mem>>) src(%arg2 : memref<2400x256xf32, #tpu.memory_space<vmem>>) dst(%dma_wait3A_328 : memref<2400x256xf32, #tpu.memory_space<hbm>>)
    return
  }
}

module attributes {stable_mosaic.version = 14 : i64} {
  func.func @_tc_head_body(%arg0: memref<1x256xf32, #tpu.memory_space<vmem>>, %arg1: memref<120000x256xf32, #tpu.memory_space<hbm>>, %arg2: memref<120000x256xf32, #tpu.memory_space<hbm>>, %arg3: memref<2400x256xf32, #tpu.memory_space<vmem>>, %arg4: memref<2400x256xf32, #tpu.memory_space<vmem>>, %arg5: memref<2400x256xf32, #tpu.memory_space<vmem>>, %arg6: memref<!tpu.dma_semaphore, #tpu.memory_space<semaphore_mem>>) attributes {dimension_semantics = [], scalar_prefetch = 0 : i64, scratch_operands = 4 : i64, tpu.core_type = #tpu.core_type<tc>} {
    %get3A = arith.constant 0 : index
    %get3A_0 = arith.constant 0 : index
    %get3A_1 = vector.load %arg0[%get3A, %get3A_0] : memref<1x256xf32, #tpu.memory_space<vmem>>, vector<1x256xf32>
    %iota3A = tpu.iota {dimensions = array<i32: 0>} : vector<2400x1xi32>
    %broadcast_in_dim3A = arith.constant 0.000000e+00 : f32
    %broadcast_in_dim3A_2 = vector.broadcast %broadcast_in_dim3A : f32 to vector<2400x256xf32>
    %swap3A = arith.constant 0 : index
    %swap3A_3 = arith.constant 0 : index
    %swap3A_4 = vector.load %arg3[%swap3A, %swap3A_3] : memref<2400x256xf32, #tpu.memory_space<vmem>>, vector<2400x256xf32>
    tpu.vector_store %arg3[%swap3A, %swap3A_3], %broadcast_in_dim3A_2 {strides = array<i32>} : memref<2400x256xf32, #tpu.memory_space<vmem>>, vector<2400x256xf32>,
    %eq3A = arith.constant 3 : i32
    %eq3A_5 = vector.broadcast %eq3A : i32 to vector<2400x1xi32>
    %eq3A_6 = arith.cmpi eq, %iota3A, %eq3A_5 : vector<2400x1xi32>
    %eq3A_7 = arith.constant 10 : i32
    %eq3A_8 = vector.broadcast %eq3A_7 : i32 to vector<2400x1xi32>
    %eq3A_9 = arith.cmpi eq, %iota3A, %eq3A_8 : vector<2400x1xi32>
    %or3A = arith.ori %eq3A_6, %eq3A_9 : vector<2400x1xi1>
    %jit3A = arith.constant 0.000000e+00 : f32
    %broadcast_in_dim3A_10 = vector.shape_cast %or3A : vector<2400x1xi1> to vector<2400x1xi1>
    %broadcast_in_dim3A_11 = vector.broadcast %broadcast_in_dim3A_10 : vector<2400x1xi1> to vector<2400x256xi1>
    %broadcast_in_dim3A_12 = vector.shape_cast %get3A_1 : vector<1x256xf32> to vector<1x256xf32>
    %broadcast_in_dim3A_13 = vector.broadcast %broadcast_in_dim3A_12 : vector<1x256xf32> to vector<2400x256xf32>
    %broadcast_in_dim3A_14 = vector.broadcast %jit3A : f32 to vector<2400x256xf32>
    %select_n3A = arith.select %broadcast_in_dim3A_11, %broadcast_in_dim3A_13, %broadcast_in_dim3A_14 : vector<2400x256xi1>, vector<2400x256xf32>
    %swap3A_15 = arith.constant 0 : index
    %swap3A_16 = arith.constant 0 : index
    %swap3A_17 = vector.load %arg4[%swap3A_15, %swap3A_16] : memref<2400x256xf32, #tpu.memory_space<vmem>>, vector<2400x256xf32>
    tpu.vector_store %arg4[%swap3A_15, %swap3A_16], %select_n3A {strides = array<i32>} : memref<2400x256xf32, #tpu.memory_space<vmem>>, vector<2400x256xf32>,
    %eq3A_18 = arith.constant 89 : i32
    %eq3A_19 = vector.broadcast %eq3A_18 : i32 to vector<2400x1xi32>
    %eq3A_20 = arith.cmpi eq, %iota3A, %eq3A_19 : vector<2400x1xi32>
    %jit3A_21 = arith.constant 0.000000e+00 : f32
    %broadcast_in_dim3A_22 = vector.shape_cast %eq3A_20 : vector<2400x1xi1> to vector<2400x1xi1>
    %broadcast_in_dim3A_23 = vector.broadcast %broadcast_in_dim3A_22 : vector<2400x1xi1> to vector<2400x256xi1>
    %broadcast_in_dim3A_24 = vector.shape_cast %get3A_1 : vector<1x256xf32> to vector<1x256xf32>
    %broadcast_in_dim3A_25 = vector.broadcast %broadcast_in_dim3A_24 : vector<1x256xf32> to vector<2400x256xf32>
    %broadcast_in_dim3A_26 = vector.broadcast %jit3A_21 : f32 to vector<2400x256xf32>
    %select_n3A_27 = arith.select %broadcast_in_dim3A_23, %broadcast_in_dim3A_25, %broadcast_in_dim3A_26 : vector<2400x256xi1>, vector<2400x256xf32>
    %swap3A_28 = arith.constant 0 : index
    %swap3A_29 = arith.constant 0 : index
    %swap3A_30 = vector.load %arg5[%swap3A_28, %swap3A_29] : memref<2400x256xf32, #tpu.memory_space<vmem>>, vector<2400x256xf32>
    tpu.vector_store %arg5[%swap3A_28, %swap3A_29], %select_n3A_27 {strides = array<i32>} : memref<2400x256xf32, #tpu.memory_space<vmem>>, vector<2400x256xf32>,
    %dma_start3A = arith.constant 0 : i32
    %dma_start3A_31 = arith.constant 0 : i32
    %dma_start3A_32 = tpu.memref_slice %arg2[%dma_start3A, %dma_start3A_31] : memref<120000x256xf32, #tpu.memory_space<hbm>> -> memref<2400x256xf32, #tpu.memory_space<hbm>>
    tpu.enqueue_dma source(%arg4 : memref<2400x256xf32, #tpu.memory_space<vmem>>) target(%dma_start3A_32 : memref<2400x256xf32, #tpu.memory_space<hbm>>) target_semaphore(%arg6 : memref<!tpu.dma_semaphore, #tpu.memory_space<semaphore_mem>>)
    %dma_start3A_33 = arith.constant 2400 : i32
    %dma_start3A_34 = arith.constant 0 : i32
    %dma_start3A_35 = tpu.memref_slice %arg2[%dma_start3A_33, %dma_start3A_34] : memref<120000x256xf32, #tpu.memory_space<hbm>> -> memref<2400x256xf32, #tpu.memory_space<hbm>>
    tpu.enqueue_dma source(%arg3 : memref<2400x256xf32, #tpu.memory_space<vmem>>) target(%dma_start3A_35 : memref<2400x256xf32, #tpu.memory_space<hbm>>) target_semaphore(%arg6 : memref<!tpu.dma_semaphore, #tpu.memory_space<semaphore_mem>>)
    %dma_start3A_36 = arith.constant 4800 : i32
    %dma_start3A_37 = arith.constant 0 : i32
    %dma_start3A_38 = tpu.memref_slice %arg2[%dma_start3A_36, %dma_start3A_37] : memref<120000x256xf32, #tpu.memory_space<hbm>> -> memref<2400x256xf32, #tpu.memory_space<hbm>>
    tpu.enqueue_dma source(%arg3 : memref<2400x256xf32, #tpu.memory_space<vmem>>) target(%dma_start3A_38 : memref<2400x256xf32, #tpu.memory_space<hbm>>) target_semaphore(%arg6 : memref<!tpu.dma_semaphore, #tpu.memory_space<semaphore_mem>>)
    %dma_start3A_39 = arith.constant 7200 : i32
    %dma_start3A_40 = arith.constant 0 : i32
    %dma_start3A_41 = tpu.memref_slice %arg2[%dma_start3A_39, %dma_start3A_40] : memref<120000x256xf32, #tpu.memory_space<hbm>> -> memref<2400x256xf32, #tpu.memory_space<hbm>>
    tpu.enqueue_dma source(%arg3 : memref<2400x256xf32, #tpu.memory_space<vmem>>) target(%dma_start3A_41 : memref<2400x256xf32, #tpu.memory_space<hbm>>) target_semaphore(%arg6 : memref<!tpu.dma_semaphore, #tpu.memory_space<semaphore_mem>>)
    %dma_start3A_42 = arith.constant 9600 : i32
    %dma_start3A_43 = arith.constant 0 : i32
    %dma_start3A_44 = tpu.memref_slice %arg2[%dma_start3A_42, %dma_start3A_43] : memref<120000x256xf32, #tpu.memory_space<hbm>> -> memref<2400x256xf32, #tpu.memory_space<hbm>>
    tpu.enqueue_dma source(%arg3 : memref<2400x256xf32, #tpu.memory_space<vmem>>) target(%dma_start3A_44 : memref<2400x256xf32, #tpu.memory_space<hbm>>) target_semaphore(%arg6 : memref<!tpu.dma_semaphore, #tpu.memory_space<semaphore_mem>>)
    %dma_start3A_45 = arith.constant 12000 : i32
    %dma_start3A_46 = arith.constant 0 : i32
    %dma_start3A_47 = tpu.memref_slice %arg2[%dma_start3A_45, %dma_start3A_46] : memref<120000x256xf32, #tpu.memory_space<hbm>> -> memref<2400x256xf32, #tpu.memory_space<hbm>>
    tpu.enqueue_dma source(%arg5 : memref<2400x256xf32, #tpu.memory_space<vmem>>) target(%dma_start3A_47 : memref<2400x256xf32, #tpu.memory_space<hbm>>) target_semaphore(%arg6 : memref<!tpu.dma_semaphore, #tpu.memory_space<semaphore_mem>>)
    %dma_start3A_48 = arith.constant 14400 : i32
    %dma_start3A_49 = arith.constant 0 : i32
    %dma_start3A_50 = tpu.memref_slice %arg2[%dma_start3A_48, %dma_start3A_49] : memref<120000x256xf32, #tpu.memory_space<hbm>> -> memref<2400x256xf32, #tpu.memory_space<hbm>>
    tpu.enqueue_dma source(%arg3 : memref<2400x256xf32, #tpu.memory_space<vmem>>) target(%dma_start3A_50 : memref<2400x256xf32, #tpu.memory_space<hbm>>) target_semaphore(%arg6 : memref<!tpu.dma_semaphore, #tpu.memory_space<semaphore_mem>>)
    %dma_start3A_51 = arith.constant 16800 : i32
    %dma_start3A_52 = arith.constant 0 : i32
    %dma_start3A_53 = tpu.memref_slice %arg2[%dma_start3A_51, %dma_start3A_52] : memref<120000x256xf32, #tpu.memory_space<hbm>> -> memref<2400x256xf32, #tpu.memory_space<hbm>>
    tpu.enqueue_dma source(%arg3 : memref<2400x256xf32, #tpu.memory_space<vmem>>) target(%dma_start3A_53 : memref<2400x256xf32, #tpu.memory_space<hbm>>) target_semaphore(%arg6 : memref<!tpu.dma_semaphore, #tpu.memory_space<semaphore_mem>>)
    %dma_start3A_54 = arith.constant 19200 : i32
    %dma_start3A_55 = arith.constant 0 : i32
    %dma_start3A_56 = tpu.memref_slice %arg2[%dma_start3A_54, %dma_start3A_55] : memref<120000x256xf32, #tpu.memory_space<hbm>> -> memref<2400x256xf32, #tpu.memory_space<hbm>>
    tpu.enqueue_dma source(%arg3 : memref<2400x256xf32, #tpu.memory_space<vmem>>) target(%dma_start3A_56 : memref<2400x256xf32, #tpu.memory_space<hbm>>) target_semaphore(%arg6 : memref<!tpu.dma_semaphore, #tpu.memory_space<semaphore_mem>>)
    %dma_start3A_57 = arith.constant 21600 : i32
    %dma_start3A_58 = arith.constant 0 : i32
    %dma_start3A_59 = tpu.memref_slice %arg2[%dma_start3A_57, %dma_start3A_58] : memref<120000x256xf32, #tpu.memory_space<hbm>> -> memref<2400x256xf32, #tpu.memory_space<hbm>>
    tpu.enqueue_dma source(%arg3 : memref<2400x256xf32, #tpu.memory_space<vmem>>) target(%dma_start3A_59 : memref<2400x256xf32, #tpu.memory_space<hbm>>) target_semaphore(%arg6 : memref<!tpu.dma_semaphore, #tpu.memory_space<semaphore_mem>>)
    %dma_start3A_60 = arith.constant 24000 : i32
    %dma_start3A_61 = arith.constant 0 : i32
    %dma_start3A_62 = tpu.memref_slice %arg2[%dma_start3A_60, %dma_start3A_61] : memref<120000x256xf32, #tpu.memory_space<hbm>> -> memref<2400x256xf32, #tpu.memory_space<hbm>>
    tpu.enqueue_dma source(%arg3 : memref<2400x256xf32, #tpu.memory_space<vmem>>) target(%dma_start3A_62 : memref<2400x256xf32, #tpu.memory_space<hbm>>) target_semaphore(%arg6 : memref<!tpu.dma_semaphore, #tpu.memory_space<semaphore_mem>>)
    %dma_start3A_63 = arith.constant 26400 : i32
    %dma_start3A_64 = arith.constant 0 : i32
    %dma_start3A_65 = tpu.memref_slice %arg2[%dma_start3A_63, %dma_start3A_64] : memref<120000x256xf32, #tpu.memory_space<hbm>> -> memref<2400x256xf32, #tpu.memory_space<hbm>>
    tpu.enqueue_dma source(%arg3 : memref<2400x256xf32, #tpu.memory_space<vmem>>) target(%dma_start3A_65 : memref<2400x256xf32, #tpu.memory_space<hbm>>) target_semaphore(%arg6 : memref<!tpu.dma_semaphore, #tpu.memory_space<semaphore_mem>>)
    %dma_start3A_66 = arith.constant 28800 : i32
    %dma_start3A_67 = arith.constant 0 : i32
    %dma_start3A_68 = tpu.memref_slice %arg2[%dma_start3A_66, %dma_start3A_67] : memref<120000x256xf32, #tpu.memory_space<hbm>> -> memref<2400x256xf32, #tpu.memory_space<hbm>>
    tpu.enqueue_dma source(%arg3 : memref<2400x256xf32, #tpu.memory_space<vmem>>) target(%dma_start3A_68 : memref<2400x256xf32, #tpu.memory_space<hbm>>) target_semaphore(%arg6 : memref<!tpu.dma_semaphore, #tpu.memory_space<semaphore_mem>>)
    %dma_start3A_69 = arith.constant 31200 : i32
    %dma_start3A_70 = arith.constant 0 : i32
    %dma_start3A_71 = tpu.memref_slice %arg2[%dma_start3A_69, %dma_start3A_70] : memref<120000x256xf32, #tpu.memory_space<hbm>> -> memref<2400x256xf32, #tpu.memory_space<hbm>>
    tpu.enqueue_dma source(%arg3 : memref<2400x256xf32, #tpu.memory_space<vmem>>) target(%dma_start3A_71 : memref<2400x256xf32, #tpu.memory_space<hbm>>) target_semaphore(%arg6 : memref<!tpu.dma_semaphore, #tpu.memory_space<semaphore_mem>>)
    %dma_start3A_72 = arith.constant 33600 : i32
    %dma_start3A_73 = arith.constant 0 : i32
    %dma_start3A_74 = tpu.memref_slice %arg2[%dma_start3A_72, %dma_start3A_73] : memref<120000x256xf32, #tpu.memory_space<hbm>> -> memref<2400x256xf32, #tpu.memory_space<hbm>>
    tpu.enqueue_dma source(%arg3 : memref<2400x256xf32, #tpu.memory_space<vmem>>) target(%dma_start3A_74 : memref<2400x256xf32, #tpu.memory_space<hbm>>) target_semaphore(%arg6 : memref<!tpu.dma_semaphore, #tpu.memory_space<semaphore_mem>>)
    %dma_start3A_75 = arith.constant 36000 : i32
    %dma_start3A_76 = arith.constant 0 : i32
    %dma_start3A_77 = tpu.memref_slice %arg2[%dma_start3A_75, %dma_start3A_76] : memref<120000x256xf32, #tpu.memory_space<hbm>> -> memref<2400x256xf32, #tpu.memory_space<hbm>>
    tpu.enqueue_dma source(%arg3 : memref<2400x256xf32, #tpu.memory_space<vmem>>) target(%dma_start3A_77 : memref<2400x256xf32, #tpu.memory_space<hbm>>) target_semaphore(%arg6 : memref<!tpu.dma_semaphore, #tpu.memory_space<semaphore_mem>>)
    %dma_start3A_78 = arith.constant 38400 : i32
    %dma_start3A_79 = arith.constant 0 : i32
    %dma_start3A_80 = tpu.memref_slice %arg2[%dma_start3A_78, %dma_start3A_79] : memref<120000x256xf32, #tpu.memory_space<hbm>> -> memref<2400x256xf32, #tpu.memory_space<hbm>>
    tpu.enqueue_dma source(%arg3 : memref<2400x256xf32, #tpu.memory_space<vmem>>) target(%dma_start3A_80 : memref<2400x256xf32, #tpu.memory_space<hbm>>) target_semaphore(%arg6 : memref<!tpu.dma_semaphore, #tpu.memory_space<semaphore_mem>>)
    %dma_start3A_81 = arith.constant 40800 : i32
    %dma_start3A_82 = arith.constant 0 : i32
    %dma_start3A_83 = tpu.memref_slice %arg2[%dma_start3A_81, %dma_start3A_82] : memref<120000x256xf32, #tpu.memory_space<hbm>> -> memref<2400x256xf32, #tpu.memory_space<hbm>>
    tpu.enqueue_dma source(%arg3 : memref<2400x256xf32, #tpu.memory_space<vmem>>) target(%dma_start3A_83 : memref<2400x256xf32, #tpu.memory_space<hbm>>) target_semaphore(%arg6 : memref<!tpu.dma_semaphore, #tpu.memory_space<semaphore_mem>>)
    %dma_start3A_84 = arith.constant 43200 : i32
    %dma_start3A_85 = arith.constant 0 : i32
    %dma_start3A_86 = tpu.memref_slice %arg2[%dma_start3A_84, %dma_start3A_85] : memref<120000x256xf32, #tpu.memory_space<hbm>> -> memref<2400x256xf32, #tpu.memory_space<hbm>>
    tpu.enqueue_dma source(%arg3 : memref<2400x256xf32, #tpu.memory_space<vmem>>) target(%dma_start3A_86 : memref<2400x256xf32, #tpu.memory_space<hbm>>) target_semaphore(%arg6 : memref<!tpu.dma_semaphore, #tpu.memory_space<semaphore_mem>>)
    %dma_start3A_87 = arith.constant 45600 : i32
    %dma_start3A_88 = arith.constant 0 : i32
    %dma_start3A_89 = tpu.memref_slice %arg2[%dma_start3A_87, %dma_start3A_88] : memref<120000x256xf32, #tpu.memory_space<hbm>> -> memref<2400x256xf32, #tpu.memory_space<hbm>>
    tpu.enqueue_dma source(%arg3 : memref<2400x256xf32, #tpu.memory_space<vmem>>) target(%dma_start3A_89 : memref<2400x256xf32, #tpu.memory_space<hbm>>) target_semaphore(%arg6 : memref<!tpu.dma_semaphore, #tpu.memory_space<semaphore_mem>>)
    %dma_start3A_90 = arith.constant 48000 : i32
    %dma_start3A_91 = arith.constant 0 : i32
    %dma_start3A_92 = tpu.memref_slice %arg2[%dma_start3A_90, %dma_start3A_91] : memref<120000x256xf32, #tpu.memory_space<hbm>> -> memref<2400x256xf32, #tpu.memory_space<hbm>>
    tpu.enqueue_dma source(%arg3 : memref<2400x256xf32, #tpu.memory_space<vmem>>) target(%dma_start3A_92 : memref<2400x256xf32, #tpu.memory_space<hbm>>) target_semaphore(%arg6 : memref<!tpu.dma_semaphore, #tpu.memory_space<semaphore_mem>>)
    %dma_start3A_93 = arith.constant 50400 : i32
    %dma_start3A_94 = arith.constant 0 : i32
    %dma_start3A_95 = tpu.memref_slice %arg2[%dma_start3A_93, %dma_start3A_94] : memref<120000x256xf32, #tpu.memory_space<hbm>> -> memref<2400x256xf32, #tpu.memory_space<hbm>>
    tpu.enqueue_dma source(%arg3 : memref<2400x256xf32, #tpu.memory_space<vmem>>) target(%dma_start3A_95 : memref<2400x256xf32, #tpu.memory_space<hbm>>) target_semaphore(%arg6 : memref<!tpu.dma_semaphore, #tpu.memory_space<semaphore_mem>>)
    %dma_start3A_96 = arith.constant 52800 : i32
    %dma_start3A_97 = arith.constant 0 : i32
    %dma_start3A_98 = tpu.memref_slice %arg2[%dma_start3A_96, %dma_start3A_97] : memref<120000x256xf32, #tpu.memory_space<hbm>> -> memref<2400x256xf32, #tpu.memory_space<hbm>>
    tpu.enqueue_dma source(%arg3 : memref<2400x256xf32, #tpu.memory_space<vmem>>) target(%dma_start3A_98 : memref<2400x256xf32, #tpu.memory_space<hbm>>) target_semaphore(%arg6 : memref<!tpu.dma_semaphore, #tpu.memory_space<semaphore_mem>>)
    %dma_start3A_99 = arith.constant 55200 : i32
    %dma_start3A_100 = arith.constant 0 : i32
    %dma_start3A_101 = tpu.memref_slice %arg2[%dma_start3A_99, %dma_start3A_100] : memref<120000x256xf32, #tpu.memory_space<hbm>> -> memref<2400x256xf32, #tpu.memory_space<hbm>>
    tpu.enqueue_dma source(%arg3 : memref<2400x256xf32, #tpu.memory_space<vmem>>) target(%dma_start3A_101 : memref<2400x256xf32, #tpu.memory_space<hbm>>) target_semaphore(%arg6 : memref<!tpu.dma_semaphore, #tpu.memory_space<semaphore_mem>>)
    %dma_start3A_102 = arith.constant 57600 : i32
    %dma_start3A_103 = arith.constant 0 : i32
    %dma_start3A_104 = tpu.memref_slice %arg2[%dma_start3A_102, %dma_start3A_103] : memref<120000x256xf32, #tpu.memory_space<hbm>> -> memref<2400x256xf32, #tpu.memory_space<hbm>>
    tpu.enqueue_dma source(%arg3 : memref<2400x256xf32, #tpu.memory_space<vmem>>) target(%dma_start3A_104 : memref<2400x256xf32, #tpu.memory_space<hbm>>) target_semaphore(%arg6 : memref<!tpu.dma_semaphore, #tpu.memory_space<semaphore_mem>>)
    %dma_start3A_105 = arith.constant 60000 : i32
    %dma_start3A_106 = arith.constant 0 : i32
    %dma_start3A_107 = tpu.memref_slice %arg2[%dma_start3A_105, %dma_start3A_106] : memref<120000x256xf32, #tpu.memory_space<hbm>> -> memref<2400x256xf32, #tpu.memory_space<hbm>>
    tpu.enqueue_dma source(%arg3 : memref<2400x256xf32, #tpu.memory_space<vmem>>) target(%dma_start3A_107 : memref<2400x256xf32, #tpu.memory_space<hbm>>) target_semaphore(%arg6 : memref<!tpu.dma_semaphore, #tpu.memory_space<semaphore_mem>>)
    %dma_start3A_108 = arith.constant 62400 : i32
    %dma_start3A_109 = arith.constant 0 : i32
    %dma_start3A_110 = tpu.memref_slice %arg2[%dma_start3A_108, %dma_start3A_109] : memref<120000x256xf32, #tpu.memory_space<hbm>> -> memref<2400x256xf32, #tpu.memory_space<hbm>>
    tpu.enqueue_dma source(%arg3 : memref<2400x256xf32, #tpu.memory_space<vmem>>) target(%dma_start3A_110 : memref<2400x256xf32, #tpu.memory_space<hbm>>) target_semaphore(%arg6 : memref<!tpu.dma_semaphore, #tpu.memory_space<semaphore_mem>>)
    %dma_start3A_111 = arith.constant 64800 : i32
    %dma_start3A_112 = arith.constant 0 : i32
    %dma_start3A_113 = tpu.memref_slice %arg2[%dma_start3A_111, %dma_start3A_112] : memref<120000x256xf32, #tpu.memory_space<hbm>> -> memref<2400x256xf32, #tpu.memory_space<hbm>>
    tpu.enqueue_dma source(%arg3 : memref<2400x256xf32, #tpu.memory_space<vmem>>) target(%dma_start3A_113 : memref<2400x256xf32, #tpu.memory_space<hbm>>) target_semaphore(%arg6 : memref<!tpu.dma_semaphore, #tpu.memory_space<semaphore_mem>>)
    %dma_wait3A = arith.constant 0 : i32
    %dma_wait3A_114 = arith.constant 0 : i32
    %dma_wait3A_115 = tpu.memref_slice %arg2[%dma_wait3A, %dma_wait3A_114] : memref<120000x256xf32, #tpu.memory_space<hbm>> -> memref<2400x256xf32, #tpu.memory_space<hbm>>
    tpu.wait_dma2 semaphore(%arg6 : memref<!tpu.dma_semaphore, #tpu.memory_space<semaphore_mem>>) src(%arg4 : memref<2400x256xf32, #tpu.memory_space<vmem>>) dst(%dma_wait3A_115 : memref<2400x256xf32, #tpu.memory_space<hbm>>)
    %dma_wait3A_116 = arith.constant 2400 : i32
    %dma_wait3A_117 = arith.constant 0 : i32
    %dma_wait3A_118 = tpu.memref_slice %arg2[%dma_wait3A_116, %dma_wait3A_117] : memref<120000x256xf32, #tpu.memory_space<hbm>> -> memref<2400x256xf32, #tpu.memory_space<hbm>>
    tpu.wait_dma2 semaphore(%arg6 : memref<!tpu.dma_semaphore, #tpu.memory_space<semaphore_mem>>) src(%arg3 : memref<2400x256xf32, #tpu.memory_space<vmem>>) dst(%dma_wait3A_118 : memref<2400x256xf32, #tpu.memory_space<hbm>>)
    %dma_wait3A_119 = arith.constant 4800 : i32
    %dma_wait3A_120 = arith.constant 0 : i32
    %dma_wait3A_121 = tpu.memref_slice %arg2[%dma_wait3A_119, %dma_wait3A_120] : memref<120000x256xf32, #tpu.memory_space<hbm>> -> memref<2400x256xf32, #tpu.memory_space<hbm>>
    tpu.wait_dma2 semaphore(%arg6 : memref<!tpu.dma_semaphore, #tpu.memory_space<semaphore_mem>>) src(%arg3 : memref<2400x256xf32, #tpu.memory_space<vmem>>) dst(%dma_wait3A_121 : memref<2400x256xf32, #tpu.memory_space<hbm>>)
    %dma_wait3A_122 = arith.constant 7200 : i32
    %dma_wait3A_123 = arith.constant 0 : i32
    %dma_wait3A_124 = tpu.memref_slice %arg2[%dma_wait3A_122, %dma_wait3A_123] : memref<120000x256xf32, #tpu.memory_space<hbm>> -> memref<2400x256xf32, #tpu.memory_space<hbm>>
    tpu.wait_dma2 semaphore(%arg6 : memref<!tpu.dma_semaphore, #tpu.memory_space<semaphore_mem>>) src(%arg3 : memref<2400x256xf32, #tpu.memory_space<vmem>>) dst(%dma_wait3A_124 : memref<2400x256xf32, #tpu.memory_space<hbm>>)
    %dma_wait3A_125 = arith.constant 9600 : i32
    %dma_wait3A_126 = arith.constant 0 : i32
    %dma_wait3A_127 = tpu.memref_slice %arg2[%dma_wait3A_125, %dma_wait3A_126] : memref<120000x256xf32, #tpu.memory_space<hbm>> -> memref<2400x256xf32, #tpu.memory_space<hbm>>
    tpu.wait_dma2 semaphore(%arg6 : memref<!tpu.dma_semaphore, #tpu.memory_space<semaphore_mem>>) src(%arg3 : memref<2400x256xf32, #tpu.memory_space<vmem>>) dst(%dma_wait3A_127 : memref<2400x256xf32, #tpu.memory_space<hbm>>)
    %dma_wait3A_128 = arith.constant 12000 : i32
    %dma_wait3A_129 = arith.constant 0 : i32
    %dma_wait3A_130 = tpu.memref_slice %arg2[%dma_wait3A_128, %dma_wait3A_129] : memref<120000x256xf32, #tpu.memory_space<hbm>> -> memref<2400x256xf32, #tpu.memory_space<hbm>>
    tpu.wait_dma2 semaphore(%arg6 : memref<!tpu.dma_semaphore, #tpu.memory_space<semaphore_mem>>) src(%arg5 : memref<2400x256xf32, #tpu.memory_space<vmem>>) dst(%dma_wait3A_130 : memref<2400x256xf32, #tpu.memory_space<hbm>>)
    %dma_wait3A_131 = arith.constant 14400 : i32
    %dma_wait3A_132 = arith.constant 0 : i32
    %dma_wait3A_133 = tpu.memref_slice %arg2[%dma_wait3A_131, %dma_wait3A_132] : memref<120000x256xf32, #tpu.memory_space<hbm>> -> memref<2400x256xf32, #tpu.memory_space<hbm>>
    tpu.wait_dma2 semaphore(%arg6 : memref<!tpu.dma_semaphore, #tpu.memory_space<semaphore_mem>>) src(%arg3 : memref<2400x256xf32, #tpu.memory_space<vmem>>) dst(%dma_wait3A_133 : memref<2400x256xf32, #tpu.memory_space<hbm>>)
    %dma_wait3A_134 = arith.constant 16800 : i32
    %dma_wait3A_135 = arith.constant 0 : i32
    %dma_wait3A_136 = tpu.memref_slice %arg2[%dma_wait3A_134, %dma_wait3A_135] : memref<120000x256xf32, #tpu.memory_space<hbm>> -> memref<2400x256xf32, #tpu.memory_space<hbm>>
    tpu.wait_dma2 semaphore(%arg6 : memref<!tpu.dma_semaphore, #tpu.memory_space<semaphore_mem>>) src(%arg3 : memref<2400x256xf32, #tpu.memory_space<vmem>>) dst(%dma_wait3A_136 : memref<2400x256xf32, #tpu.memory_space<hbm>>)
    %dma_wait3A_137 = arith.constant 19200 : i32
    %dma_wait3A_138 = arith.constant 0 : i32
    %dma_wait3A_139 = tpu.memref_slice %arg2[%dma_wait3A_137, %dma_wait3A_138] : memref<120000x256xf32, #tpu.memory_space<hbm>> -> memref<2400x256xf32, #tpu.memory_space<hbm>>
    tpu.wait_dma2 semaphore(%arg6 : memref<!tpu.dma_semaphore, #tpu.memory_space<semaphore_mem>>) src(%arg3 : memref<2400x256xf32, #tpu.memory_space<vmem>>) dst(%dma_wait3A_139 : memref<2400x256xf32, #tpu.memory_space<hbm>>)
    %dma_wait3A_140 = arith.constant 21600 : i32
    %dma_wait3A_141 = arith.constant 0 : i32
    %dma_wait3A_142 = tpu.memref_slice %arg2[%dma_wait3A_140, %dma_wait3A_141] : memref<120000x256xf32, #tpu.memory_space<hbm>> -> memref<2400x256xf32, #tpu.memory_space<hbm>>
    tpu.wait_dma2 semaphore(%arg6 : memref<!tpu.dma_semaphore, #tpu.memory_space<semaphore_mem>>) src(%arg3 : memref<2400x256xf32, #tpu.memory_space<vmem>>) dst(%dma_wait3A_142 : memref<2400x256xf32, #tpu.memory_space<hbm>>)
    %dma_wait3A_143 = arith.constant 24000 : i32
    %dma_wait3A_144 = arith.constant 0 : i32
    %dma_wait3A_145 = tpu.memref_slice %arg2[%dma_wait3A_143, %dma_wait3A_144] : memref<120000x256xf32, #tpu.memory_space<hbm>> -> memref<2400x256xf32, #tpu.memory_space<hbm>>
    tpu.wait_dma2 semaphore(%arg6 : memref<!tpu.dma_semaphore, #tpu.memory_space<semaphore_mem>>) src(%arg3 : memref<2400x256xf32, #tpu.memory_space<vmem>>) dst(%dma_wait3A_145 : memref<2400x256xf32, #tpu.memory_space<hbm>>)
    %dma_wait3A_146 = arith.constant 26400 : i32
    %dma_wait3A_147 = arith.constant 0 : i32
    %dma_wait3A_148 = tpu.memref_slice %arg2[%dma_wait3A_146, %dma_wait3A_147] : memref<120000x256xf32, #tpu.memory_space<hbm>> -> memref<2400x256xf32, #tpu.memory_space<hbm>>
    tpu.wait_dma2 semaphore(%arg6 : memref<!tpu.dma_semaphore, #tpu.memory_space<semaphore_mem>>) src(%arg3 : memref<2400x256xf32, #tpu.memory_space<vmem>>) dst(%dma_wait3A_148 : memref<2400x256xf32, #tpu.memory_space<hbm>>)
    %dma_wait3A_149 = arith.constant 28800 : i32
    %dma_wait3A_150 = arith.constant 0 : i32
    %dma_wait3A_151 = tpu.memref_slice %arg2[%dma_wait3A_149, %dma_wait3A_150] : memref<120000x256xf32, #tpu.memory_space<hbm>> -> memref<2400x256xf32, #tpu.memory_space<hbm>>
    tpu.wait_dma2 semaphore(%arg6 : memref<!tpu.dma_semaphore, #tpu.memory_space<semaphore_mem>>) src(%arg3 : memref<2400x256xf32, #tpu.memory_space<vmem>>) dst(%dma_wait3A_151 : memref<2400x256xf32, #tpu.memory_space<hbm>>)
    %dma_wait3A_152 = arith.constant 31200 : i32
    %dma_wait3A_153 = arith.constant 0 : i32
    %dma_wait3A_154 = tpu.memref_slice %arg2[%dma_wait3A_152, %dma_wait3A_153] : memref<120000x256xf32, #tpu.memory_space<hbm>> -> memref<2400x256xf32, #tpu.memory_space<hbm>>
    tpu.wait_dma2 semaphore(%arg6 : memref<!tpu.dma_semaphore, #tpu.memory_space<semaphore_mem>>) src(%arg3 : memref<2400x256xf32, #tpu.memory_space<vmem>>) dst(%dma_wait3A_154 : memref<2400x256xf32, #tpu.memory_space<hbm>>)
    %dma_wait3A_155 = arith.constant 33600 : i32
    %dma_wait3A_156 = arith.constant 0 : i32
    %dma_wait3A_157 = tpu.memref_slice %arg2[%dma_wait3A_155, %dma_wait3A_156] : memref<120000x256xf32, #tpu.memory_space<hbm>> -> memref<2400x256xf32, #tpu.memory_space<hbm>>
    tpu.wait_dma2 semaphore(%arg6 : memref<!tpu.dma_semaphore, #tpu.memory_space<semaphore_mem>>) src(%arg3 : memref<2400x256xf32, #tpu.memory_space<vmem>>) dst(%dma_wait3A_157 : memref<2400x256xf32, #tpu.memory_space<hbm>>)
    %dma_wait3A_158 = arith.constant 36000 : i32
    %dma_wait3A_159 = arith.constant 0 : i32
    %dma_wait3A_160 = tpu.memref_slice %arg2[%dma_wait3A_158, %dma_wait3A_159] : memref<120000x256xf32, #tpu.memory_space<hbm>> -> memref<2400x256xf32, #tpu.memory_space<hbm>>
    tpu.wait_dma2 semaphore(%arg6 : memref<!tpu.dma_semaphore, #tpu.memory_space<semaphore_mem>>) src(%arg3 : memref<2400x256xf32, #tpu.memory_space<vmem>>) dst(%dma_wait3A_160 : memref<2400x256xf32, #tpu.memory_space<hbm>>)
    %dma_wait3A_161 = arith.constant 38400 : i32
    %dma_wait3A_162 = arith.constant 0 : i32
    %dma_wait3A_163 = tpu.memref_slice %arg2[%dma_wait3A_161, %dma_wait3A_162] : memref<120000x256xf32, #tpu.memory_space<hbm>> -> memref<2400x256xf32, #tpu.memory_space<hbm>>
    tpu.wait_dma2 semaphore(%arg6 : memref<!tpu.dma_semaphore, #tpu.memory_space<semaphore_mem>>) src(%arg3 : memref<2400x256xf32, #tpu.memory_space<vmem>>) dst(%dma_wait3A_163 : memref<2400x256xf32, #tpu.memory_space<hbm>>)
    %dma_wait3A_164 = arith.constant 40800 : i32
    %dma_wait3A_165 = arith.constant 0 : i32
    %dma_wait3A_166 = tpu.memref_slice %arg2[%dma_wait3A_164, %dma_wait3A_165] : memref<120000x256xf32, #tpu.memory_space<hbm>> -> memref<2400x256xf32, #tpu.memory_space<hbm>>
    tpu.wait_dma2 semaphore(%arg6 : memref<!tpu.dma_semaphore, #tpu.memory_space<semaphore_mem>>) src(%arg3 : memref<2400x256xf32, #tpu.memory_space<vmem>>) dst(%dma_wait3A_166 : memref<2400x256xf32, #tpu.memory_space<hbm>>)
    %dma_wait3A_167 = arith.constant 43200 : i32
    %dma_wait3A_168 = arith.constant 0 : i32
    %dma_wait3A_169 = tpu.memref_slice %arg2[%dma_wait3A_167, %dma_wait3A_168] : memref<120000x256xf32, #tpu.memory_space<hbm>> -> memref<2400x256xf32, #tpu.memory_space<hbm>>
    tpu.wait_dma2 semaphore(%arg6 : memref<!tpu.dma_semaphore, #tpu.memory_space<semaphore_mem>>) src(%arg3 : memref<2400x256xf32, #tpu.memory_space<vmem>>) dst(%dma_wait3A_169 : memref<2400x256xf32, #tpu.memory_space<hbm>>)
    %dma_wait3A_170 = arith.constant 45600 : i32
    %dma_wait3A_171 = arith.constant 0 : i32
    %dma_wait3A_172 = tpu.memref_slice %arg2[%dma_wait3A_170, %dma_wait3A_171] : memref<120000x256xf32, #tpu.memory_space<hbm>> -> memref<2400x256xf32, #tpu.memory_space<hbm>>
    tpu.wait_dma2 semaphore(%arg6 : memref<!tpu.dma_semaphore, #tpu.memory_space<semaphore_mem>>) src(%arg3 : memref<2400x256xf32, #tpu.memory_space<vmem>>) dst(%dma_wait3A_172 : memref<2400x256xf32, #tpu.memory_space<hbm>>)
    %dma_wait3A_173 = arith.constant 48000 : i32
    %dma_wait3A_174 = arith.constant 0 : i32
    %dma_wait3A_175 = tpu.memref_slice %arg2[%dma_wait3A_173, %dma_wait3A_174] : memref<120000x256xf32, #tpu.memory_space<hbm>> -> memref<2400x256xf32, #tpu.memory_space<hbm>>
    tpu.wait_dma2 semaphore(%arg6 : memref<!tpu.dma_semaphore, #tpu.memory_space<semaphore_mem>>) src(%arg3 : memref<2400x256xf32, #tpu.memory_space<vmem>>) dst(%dma_wait3A_175 : memref<2400x256xf32, #tpu.memory_space<hbm>>)
    %dma_wait3A_176 = arith.constant 50400 : i32
    %dma_wait3A_177 = arith.constant 0 : i32
    %dma_wait3A_178 = tpu.memref_slice %arg2[%dma_wait3A_176, %dma_wait3A_177] : memref<120000x256xf32, #tpu.memory_space<hbm>> -> memref<2400x256xf32, #tpu.memory_space<hbm>>
    tpu.wait_dma2 semaphore(%arg6 : memref<!tpu.dma_semaphore, #tpu.memory_space<semaphore_mem>>) src(%arg3 : memref<2400x256xf32, #tpu.memory_space<vmem>>) dst(%dma_wait3A_178 : memref<2400x256xf32, #tpu.memory_space<hbm>>)
    %dma_wait3A_179 = arith.constant 52800 : i32
    %dma_wait3A_180 = arith.constant 0 : i32
    %dma_wait3A_181 = tpu.memref_slice %arg2[%dma_wait3A_179, %dma_wait3A_180] : memref<120000x256xf32, #tpu.memory_space<hbm>> -> memref<2400x256xf32, #tpu.memory_space<hbm>>
    tpu.wait_dma2 semaphore(%arg6 : memref<!tpu.dma_semaphore, #tpu.memory_space<semaphore_mem>>) src(%arg3 : memref<2400x256xf32, #tpu.memory_space<vmem>>) dst(%dma_wait3A_181 : memref<2400x256xf32, #tpu.memory_space<hbm>>)
    %dma_wait3A_182 = arith.constant 55200 : i32
    %dma_wait3A_183 = arith.constant 0 : i32
    %dma_wait3A_184 = tpu.memref_slice %arg2[%dma_wait3A_182, %dma_wait3A_183] : memref<120000x256xf32, #tpu.memory_space<hbm>> -> memref<2400x256xf32, #tpu.memory_space<hbm>>
    tpu.wait_dma2 semaphore(%arg6 : memref<!tpu.dma_semaphore, #tpu.memory_space<semaphore_mem>>) src(%arg3 : memref<2400x256xf32, #tpu.memory_space<vmem>>) dst(%dma_wait3A_184 : memref<2400x256xf32, #tpu.memory_space<hbm>>)
    %dma_wait3A_185 = arith.constant 57600 : i32
    %dma_wait3A_186 = arith.constant 0 : i32
    %dma_wait3A_187 = tpu.memref_slice %arg2[%dma_wait3A_185, %dma_wait3A_186] : memref<120000x256xf32, #tpu.memory_space<hbm>> -> memref<2400x256xf32, #tpu.memory_space<hbm>>
    tpu.wait_dma2 semaphore(%arg6 : memref<!tpu.dma_semaphore, #tpu.memory_space<semaphore_mem>>) src(%arg3 : memref<2400x256xf32, #tpu.memory_space<vmem>>) dst(%dma_wait3A_187 : memref<2400x256xf32, #tpu.memory_space<hbm>>)
    %dma_wait3A_188 = arith.constant 60000 : i32
    %dma_wait3A_189 = arith.constant 0 : i32
    %dma_wait3A_190 = tpu.memref_slice %arg2[%dma_wait3A_188, %dma_wait3A_189] : memref<120000x256xf32, #tpu.memory_space<hbm>> -> memref<2400x256xf32, #tpu.memory_space<hbm>>
    tpu.wait_dma2 semaphore(%arg6 : memref<!tpu.dma_semaphore, #tpu.memory_space<semaphore_mem>>) src(%arg3 : memref<2400x256xf32, #tpu.memory_space<vmem>>) dst(%dma_wait3A_190 : memref<2400x256xf32, #tpu.memory_space<hbm>>)
    %dma_wait3A_191 = arith.constant 62400 : i32
    %dma_wait3A_192 = arith.constant 0 : i32
    %dma_wait3A_193 = tpu.memref_slice %arg2[%dma_wait3A_191, %dma_wait3A_192] : memref<120000x256xf32, #tpu.memory_space<hbm>> -> memref<2400x256xf32, #tpu.memory_space<hbm>>
    tpu.wait_dma2 semaphore(%arg6 : memref<!tpu.dma_semaphore, #tpu.memory_space<semaphore_mem>>) src(%arg3 : memref<2400x256xf32, #tpu.memory_space<vmem>>) dst(%dma_wait3A_193 : memref<2400x256xf32, #tpu.memory_space<hbm>>)
    %dma_wait3A_194 = arith.constant 64800 : i32
    %dma_wait3A_195 = arith.constant 0 : i32
    %dma_wait3A_196 = tpu.memref_slice %arg2[%dma_wait3A_194, %dma_wait3A_195] : memref<120000x256xf32, #tpu.memory_space<hbm>> -> memref<2400x256xf32, #tpu.memory_space<hbm>>
    tpu.wait_dma2 semaphore(%arg6 : memref<!tpu.dma_semaphore, #tpu.memory_space<semaphore_mem>>) src(%arg3 : memref<2400x256xf32, #tpu.memory_space<vmem>>) dst(%dma_wait3A_196 : memref<2400x256xf32, #tpu.memory_space<hbm>>)
    return
  }
}

</mosaic_0001>

<sc_bundles>
// kernel: kernel.5.cloned.1.call-start
scs
__scs_entry_jumppad:
0x0: {  	(pc) =	sbr.rel $0x88, $3  }
0x1: {  	(tag) =	ssettag $0x0;
	lr =	simm.s32 $0x1  }
0x2: {  	[smem:$0x3FA0] =	sst lr;
	_ =	strace $0xD0000000  }
0x3: {  	_ = 	snop  }
0x4: {  	_ = 	snop  }
0x5: {  	_ = 	snop  }
0x6: {  	_ = 	snop  }
0x7: {  	_ = 	snop  }
__scs_overlays_trampoline_lowered:
0x8: {  	[smem:$0x3FAF] =	sst s0  }
0x9: {  	[smem:$0x3FB0] =	sst s1  }
0xa: {  	[smem:$0x3FB1] =	sst s2  }
0xb: {  	[smem:$0x3FB2] =	sst s3  }
0xc: {  	[smem:$0x3FB3] =	sst s4  }
0xd: {  	[smem:$0x3FB4] =	sst s5  }
0xe: {  	[smem:$0x3FB5] =	sst s6  }
0xf: {  	[smem:$0x3FB6] =	sst s7  }
0x10: {  	[smem:$0x3FB7] =	sst s8  }
0x11: {  	[smem:$0x3FB8] =	sst s9;
	s0 =	simm.s32 @!p0 $0x0  }
0x12: {  	s1 =	sld [smem:$0x3F9E];
	s0 =	simm.s32 @p0 $0x1  }
0x13: {  	[smem:$0x3FB9] =	sst s0;
	s0 =	simm.s32 @!p1 $0x0  }
0x14: {  	s2 =	sld [smem:$0x3F9D];
	s0 =	simm.s32 @p1 $0x1  }
0x15: {  	[smem:$0x3FBA] =	sst s0;
	s0 =	simm.s32 @!p2 $0x0  }
0x16: {  	s3 =	sld [smem:$0x3FDB];
	s0 =	simm.s32 @p2 $0x1  }
0x17: {  	s4 =	simm.s32 $0x1BF5;
	[smem:$0x3FBC] =	sst s0  }
0x18: {  	s0 =	sld [smem:$0x3F9F];
	_ =	swait.ge [sflag:s4], $0x0  }
0x19: {  	s7 =	sld [smem:$0x3FA0]  }
0x1a: {  	s8 =	sadd.s32 $0xFFFFE003, lr  }
0x1b: {  	s9 =	sadd.s32 $0xFFFFFEF7, lr;
	s5 =	simm.s32 $0xFFFFFFFF;
	p2 =	slt.u32 s8, $0xFFFFF086  }
0x1c: {  	p1 =	slt.u32 s9, $0xF7A;
	s5 =	simm.s32 @!p2 $0x0  }
0x1d: {  	s5 =	simm.s32 @p1 $0x1;
	p0 =	seq.s32 s7, s2  }
0x1e: {  	s7 =	smul.u32 @!p0 $0xF7A, s2;
	p2 =	seq.s32 @!p0 s5, $0x0  }
0x1f: {  	s9 =	smul.u32 $0xF7A, s1;
	s8 =	simm.s32 @!p0 $0x1BF5;
	p2 =	por !p2, p0  }
0x20: {  	[sflag:s8] =	ssyncset.s32 @!p0 $0xFFFFF086;
	s6 =	sadd.s32 @!p0 s3, s7;
	s7 =	simm.s32 @!p0 $0x108  }
0x21: {  	s3 =	sadd.s32 s3, s9;
	s6 =	sadd.s32 @!p0 $0x88, s6;
	s7 =	simm.s32 @p2 $0x1082  }
0x22: {  	[simem:s7], [sflag:s8] =	dma.local @!p0 [hbm:s6], $0xF7A  }
0x23: {  	s9 =	sor.u32 $0xD0000000, s2;
	s6 =	simm.s32 $0x108;
	_ =	swait.ge @!p0 [sflag:s8], $0x0  }
0x24: {  	s3 =	sadd.s32 $0x88, s3;
	s6 =	simm.s32 @!p1 $0x1082;
	[sflag:s4] =	ssyncset.s32 $0xFFFFF086  }
0x25: {  	[simem:s6], [sflag:s4] =	dma.local [hbm:s3], $0xF7A  }
0x26: {  	[smem:$0x3FA0] =	sst s1;
	(tag) =	ssettag s2;
	_ =	strace s9  }
0x27: {  	s1 =	sld [smem:$0x3FB0]  }
0x28: {  	s2 =	sld [smem:$0x3FB1]  }
0x29: {  	s4 =	sld [smem:$0x3FB3]  }
0x2a: {  	p0 =	seq.s32 s5, $0x0;
	s5 =	sld [smem:$0x3FB4]  }
0x2b: {  	s6 =	sld [smem:$0x3FB5]  }
0x2c: {  	s7 =	sld [smem:$0x3FB6]  }
0x2d: {  	s3 =	simm.s32 $0x108;
	s8 =	sld [smem:$0x3FB7]  }
0x2e: {  	s3 =	simm.s32 @!p0 $0x1082;
	s9 =	sld [smem:$0x3FB8]  }
0x2f: {  	lr =	sadd.s32 s0, s3;
	s0 =	sld [smem:$0x3FAF]  }
0x30: {  	s3 =	sld [smem:$0x3FB2]  }
0x31: {  	[smem:$0x3FBB] =	sst s10  }
0x32: {  	s10 =	sld [smem:$0x3FB9];
	_ =	sdelay $0x3  }
0x33: {  	p0 =	seq.s32 s10, $0x1;
	s10 =	sld [smem:$0x3FBB];
	_ =	sdelay $0x3  }
0x34: {  	[smem:$0x3FBB] =	sst s10  }
0x35: {  	s10 =	sld [smem:$0x3FBA];
	_ =	sdelay $0x3  }
0x36: {  	p1 =	seq.s32 s10, $0x1;
	s10 =	sld [smem:$0x3FBB];
	_ =	sdelay $0x3  }
0x37: {  	[smem:$0x3FBB] =	sst s10  }
0x38: {  	s10 =	sld [smem:$0x3FBC]  }
0x39: {  	_ = 	snop;
	(pc) =	sbr.ind lr, $3  }
0x3a: {  	_ = 	snop  }
0x3b: {  	_ = 	snop  }
0x3c: {  	p2 =	seq.s32 s10, $0x1;
	s10 =	sld [smem:$0x3FBB]  }
0x3d: {  	_ =	shalt  }
0x3e: {  	_ =	shalt  }
0x3f: {  	_ =	shalt  }
0x40: {  	_ =	shalt  }
0x41: {  	_ =	shalt  }
0x42: {  	_ =	shalt  }
0x43: {  	_ =	shalt  }
0x44: {  	_ =	shalt  }
0x45: {  	_ =	shalt  }
0x46: {  	_ =	shalt  }
0x47: {  	_ =	shalt  }
0x48: {  	_ =	shalt  }
0x49: {  	_ =	shalt  }
0x4a: {  	_ =	shalt  }
0x4b: {  	_ =	shalt  }
0x4c: {  	_ =	shalt  }
0x4d: {  	_ =	shalt  }
0x4e: {  	_ =	shalt  }
0x4f: {  	_ =	shalt  }
0x50: {  	_ =	shalt  }
0x51: {  	_ =	shalt  }
0x52: {  	_ =	shalt  }
0x53: {  	_ =	shalt  }
0x54: {  	_ =	shalt  }
0x55: {  	_ =	shalt  }
0x56: {  	_ =	shalt  }
0x57: {  	_ =	shalt  }
0x58: {  	_ =	shalt  }
0x59: {  	_ =	shalt  }
0x5a: {  	_ =	shalt  }
0x5b: {  	_ =	shalt  }
0x5c: {  	_ =	shalt  }
0x5d: {  	_ =	shalt  }
0x5e: {  	_ =	shalt  }
0x5f: {  	_ =	shalt  }
0x60: {  	_ =	shalt  }
0x61: {  	_ =	shalt  }
0x62: {  	_ =	shalt  }
0x63: {  	_ =	shalt  }
0x64: {  	_ =	shalt  }
0x65: {  	_ =	shalt  }
0x66: {  	_ =	shalt  }
0x67: {  	_ =	shalt  }
0x68: {  	_ =	shalt  }
0x69: {  	_ =	shalt  }
0x6a: {  	_ =	shalt  }
0x6b: {  	_ =	shalt  }
0x6c: {  	_ =	shalt  }
0x6d: {  	_ =	shalt  }
0x6e: {  	_ =	shalt  }
0x6f: {  	_ =	shalt  }
0x70: {  	_ =	shalt  }
0x71: {  	_ =	shalt  }
0x72: {  	_ =	shalt  }
0x73: {  	_ =	shalt  }
0x74: {  	_ =	shalt  }
0x75: {  	_ =	shalt  }
0x76: {  	_ =	shalt  }
0x77: {  	_ =	shalt  }
0x78: {  	_ =	shalt  }
0x79: {  	_ =	shalt  }
0x7a: {  	_ =	shalt  }
0x7b: {  	_ =	shalt  }
0x7c: {  	_ =	shalt  }
0x7d: {  	_ =	shalt  }
0x7e: {  	_ =	shalt  }
0x7f: {  	_ =	shalt  }
0x80: {  	_ =	shalt  }
0x81: {  	_ =	shalt  }
0x82: {  	_ =	shalt  }
0x83: {  	_ =	shalt  }
0x84: {  	_ =	shalt  }
0x85: {  	_ =	shalt  }
0x86: {  	_ =	shalt  }
0x87: {  	_ =	shalt  }
.Lfunc_end0:
.L_simem_size_0:
called_computation_lowered:
.L_overlay_start_0:
0x88: {  	s2 =	sld [smem:$0x3FD9]  }
0x89: {  	s3 =	sld [smem:$0x3FFE];
	_ =	sdelay $0x1  }
0x8a: {  	s1 =	srdreg.scid  }
0x8b: {  	s0 =	sand.u32 $0x1, s1  }
0x8c: {  	s15 =	sshll.u32 s0, $0xA;
	s2 =	sadd.s32 s3, s2  }
0x8d: {  	s2 =	sadd.s32 s2, s15  }
0x8e: {  	[smem:$0x3FC7] =	sst s2  }
0x8f: {  	_ = 	snop  }
0x90: {  	s2 =	sld [smem:$0x3FD0];
	_ =	sdelay $0x2  }
0x91: {  	s16 =	simm.s32 $0xA;
	s4 =	simm.s32 $0x10  }
0x92: {  	[smem:s4], [sflag:s16] =	dma.local [hbm:s2], $0x1  }
0x93: {  	_ =	swait.eq [sflag:s16], $0x1  }
0x94: {  	[sflag:s16] =	ssyncset.done $0x0  }
0x95: {  	[sflag:s16] =	ssyncadd.s32 $0xFFFFFFFF  }
0x96: {  	s17 =	sld [smem:$0x11];
	(tm) =	ssettm $0x1  }
0x97: {  	s18 =	sld [smem:$0x3FFB];
	_ =	sdelay $0x3  }
0x98: {  	_ =	strace s18  }
0x99: {  	s3 =	sld [smem:$0x3FFC];
	_ =	sdelay $0x3  }
0x9a: {  	_ =	strace s3  }
0x9b: {  	s3 =	sld [smem:$0x3FFD];
	_ =	sdelay $0x3  }
0x9c: {  	_ =	strace s3  }
0x9d: {  	_ =	strace $0x8FFFFFFF  }
0x9e: {  	s19 =	sld [smem:$0x3FDB];
	_ =	sdelay $0x1  }
0x9f: {  	s20 =	simm.s32 $_scs_section_size  }
0xa0: {  	s5 =	simm.s32 $_size__tile_overlayer_lowered;
	s6 =	simm.s32 $_tile_overlayer_lowered  }
0xa1: {  	s23 =	simm.s32 $0x1BFF;
	s22 =	sshll.u32 s6, $0x1;
	s3 =	sadd.s32 s20, s19  }
0xa2: {  	s7 =	simm.s32 $0x0;
	s21 =	sshll.u32 s5, $0x1;
	s5 =	sadd.s32 s22, s3  }
0xa3: {  	[timem:s7], [sflag:s23] =	dma.local [hbm:s5], s21  }
0xa4: {  	_ =	swait.ge [sflag:s23], s21  }
0xa5: {  	s4 =	ssub.s32 $0x0, s21;
	[sflag:s23] =	ssyncset.done $0x0  }
0xa6: {  	[sflag:s23] =	ssyncadd.s32 s4;
	_ =	sdelay $0x1  }
0xa7: {  	s24 =	simm.s32 $0x1B8B  }
0xa8: {  	_ =	swait.ge [sflag:s24], $0x1  }
0xa9: {  	[sflag:s24] =	ssyncset.done $0x0  }
0xaa: {  	s25 =	simm.s32 $0x1B8E;
	[sflag:s24] =	ssyncadd.s32 $0xFFFFFFFF  }
0xab: {  	s26 =	simm.s32 $execute0_lowered;
	[smem:$0x3FD2] =	sst s25  }
0xac: {  	s4 =	sshll.u32 s26, $0x1;
	_ =	strace $0x80000046;
	[dreg:$0x1] =	wrdreg $0xFFFFFFFF  }
0xad: {  	s28 =	simm.s32 $_size_execute0_lowered;
	s3 =	sadd.s32 s3, s4;
	[dreg:$0x0] =	wrdreg $0x0  }
0xae: {  	s4 =	sshll.u32 s28, $0x1;
	[dreg:$0x2] =	wrdreg s3  }
0xaf: {  	[dreg:$0x3] =	wrdreg s4  }
0xb0: {  	[dreg:$0x4] =	wrdreg $0xC0  }
0xb1: {  	_ =	task [dreg:s7], $0x5FFFF  }
0xb2: {  	[dreg:$0x1] =	wrdreg $0xFFFFFFFF  }
0xb3: {  	[dreg:$0x0] =	wrdreg $0x60  }
0xb4: {  	[dreg:$0x2] =	wrdreg s17  }
0xb5: {  	[dreg:$0x3] =	wrdreg $0x9  }
0xb6: {  	_ =	task.clear_ibuf [dreg:s7], $0x4FFFF;
	_ =	strace $0x90000046  }
0xb7: {  	s29 =	simm.s32 $0x9;
	_ =	strace $0x80000048  }
0xb8: {  	_ =	swait.ge [sflag:s29], $0x1  }
0xb9: {  	[sflag:s29] =	ssyncadd.s32 $0xFFFFFFFF  }
0xba: {  	_ =	strace $0x90000048  }
0xbb: {  	_ =	sfence  }
0xbc: {  	s30 =	sld [smem:$0x0];
	_ =	sdelay $0x2  }
0xbd: {  	s31 =	sshll.u32 s1, $0xD;
	s1 =	sshrl.u32 s1, $0x2  }
0xbe: {  	s3 =	sand.u32 $0x4000, s31;
	s1 =	sadd.s32 s1, s30  }
0xbf: {  	s0 =	sor.u32 s3, s0;
	s1 =	sshll.u32 s1, $0x11  }
0xc0: {  	s0 =	sor.u32 s1, s0  }
0xc1: {  	s0 =	sadd.s32 $0x8F2B, s0  }
0xc2: {  	[sflag:s0] =	ssyncadd.remote.s32 $0x1  }
0xc3: {  	_ =	sfence.sel $0xFFFF  }
0xc4: {  	[dreg:$0x0] =	wrdreg $0xFFFFFFFF;
	(pc) =	sbr.abs _section_cstart, $3  }
0xc5: {  	[dreg:$0x1] =	wrdreg $0xFFFFFFFF  }
0xc6: {  	_ =	task.clear_ibuf [dreg:s7], $0x2FFFF;
	_ =	strace $0x9FFFFFFF  }
0xc7: {  	(tm) =	ssettm $0x7FFFFFFF  }
tec
execute0_lowered:
.L_overlay_start_1:
0x0: {  	(tag) =	ssettag $0x1  }
0x1: {  	s1 =	srdreg.scid;
	s0 =	stileid.u32  }
0x2: {  	s3 =	sand.u32 $0x1, s1;
	s31 =	sshll.u32 s0, $0x1  }
0x3: {  	s1 =	sor.u32 s3, s31  }
0x4: {  	s4 =	smul.u32 $0x89800, s1  }
0x5: {  	s5 =	rddreg [dreg:$0x0];
	s2 =	simm.s32 $0x0;
	s9 =	simm.s32 $0x0  }
0x6: {  	[smem:$0x7FF] =	sst s2;
	p0 =	sgt.u32 s0, $0xB;
	s4 =	sshrl.u32 s4, $0x3  }
0x7: {  	s6 =	ssub.s32 $0x2, s3;
	s1 =	rddreg [dreg:$0x1];
	s7 =	sadd.s32 s5, s4  }
0x8: {  	_ =	strace $0x80000047;
	s8 =	sshrl.u32 s6, $0x1;
	s3 =	sadd.s32 $0x20D000, s7  }
0x9: {  	s8 =	ssub.s32 s6, s8;
	s4 =	sadd.s32 $0x210700, s7;
	s5 =	sadd.s32 $0x213E00, s7  }
0xa: {  	v0 =	vimm.f32 $0.0e+00;
	s8 =	smax.u32 s8, $0x1;
	s6 =	sadd.s32 $0x217500, s7;
	s7 =	sadd.s32 $0x21AC00, s7  }
.LBB2_1:
0xb: {  	s10 =	sand.u32 $0x1F800, s2;
	s11 =	sand.u32 $0x380, s2  }
0xc: {  	s10 =	sor.u32 s11, s10  }
0xd: {  	[tilespmem:s10+$0x470] =	vst v0  }
0xe: {  	[tilespmem:s10+$0x0] =	vst v0  }
0xf: {  	[tilespmem:s10+$0x10] =	vst v0  }
0x10: {  	[tilespmem:s10+$0x20] =	vst v0  }
0x11: {  	[tilespmem:s10+$0x30] =	vst v0  }
0x12: {  	[tilespmem:s10+$0x40] =	vst v0  }
0x13: {  	[tilespmem:s10+$0x50] =	vst v0  }
0x14: {  	[tilespmem:s10+$0x60] =	vst v0  }
0x15: {  	[tilespmem:s10+$0x70] =	vst v0  }
0x16: {  	[tilespmem:s10+$0x400] =	vst v0  }
0x17: {  	[tilespmem:s10+$0x410] =	vst v0  }
0x18: {  	[tilespmem:s10+$0x420] =	vst v0  }
0x19: {  	[tilespmem:s10+$0x430] =	vst v0  }
0x1a: {  	s12 =	simm.s32 $0x100;
	s11 =	simm.s32 $0x80;
	[tilespmem:s10+$0x440] =	vst v0  }
0x1b: {  	s13 =	sand.u32 $0x1F800, s12;
	s12 =	simm.s32 $0x200;
	s14 =	sand.u32 $0x380, s11;
	[tilespmem:s10+$0x450] =	vst v0  }
.LBB2_2:
0x1c: {  	p1 =	sne.s32 s12, $0x1B700;
	[tilespmem:s10+$0x460] =	vst v0;
	s10 =	sor.u32 s14, s13  }
0x1d: {  	[tilespmem:s10+$0x470] =	vst v0  }
0x1e: {  	[tilespmem:s10+$0x0] =	vst v0  }
0x1f: {  	[tilespmem:s10+$0x10] =	vst v0  }
0x20: {  	[tilespmem:s10+$0x20] =	vst v0  }
0x21: {  	[tilespmem:s10+$0x30] =	vst v0  }
0x22: {  	[tilespmem:s10+$0x40] =	vst v0  }
0x23: {  	[tilespmem:s10+$0x50] =	vst v0  }
0x24: {  	[tilespmem:s10+$0x60] =	vst v0  }
0x25: {  	[tilespmem:s10+$0x70] =	vst v0  }
0x26: {  	[tilespmem:s10+$0x400] =	vst v0  }
.Ltmp0:
0x27: {  	[tilespmem:s10+$0x410] =	vst v0;
	(pc) =	sbr.rel @p1 .LBB2_2-.Ltmp0, $4  }
0x28: {  	[tilespmem:s10+$0x420] =	vst v0  }
0x29: {  	[tilespmem:s10+$0x430] =	vst v0  }
0x2a: {  	s11 =	sadd.s32 $0x80, s11;
	[tilespmem:s10+$0x440] =	vst v0  }
0x2b: {  	s13 =	sand.u32 $0x1F800, s12;
	s12 =	sadd.s32 $0x100, s12;
	s14 =	sand.u32 $0x380, s11;
	[tilespmem:s10+$0x450] =	vst v0  }
0x2c: {  	s11 =	sor.u32 s14, s13;
	[tilespmem:s10+$0x460] =	vst v0  }
0x2d: {  	[tilespmem:s11+$0x470] =	vst v0  }
0x2e: {  	[tilespmem:s11+$0x0] =	vst v0  }
0x2f: {  	[tilespmem:s11+$0x10] =	vst v0  }
0x30: {  	[tilespmem:s11+$0x20] =	vst v0  }
0x31: {  	[tilespmem:s11+$0x30] =	vst v0  }
0x32: {  	[tilespmem:s11+$0x40] =	vst v0  }
0x33: {  	[tilespmem:s11+$0x50] =	vst v0  }
0x34: {  	[tilespmem:s11+$0x60] =	vst v0  }
0x35: {  	[tilespmem:s11+$0x70] =	vst v0  }
0x36: {  	[tilespmem:s11+$0x400] =	vst v0  }
0x37: {  	[tilespmem:s11+$0x410] =	vst v0  }
0x38: {  	[tilespmem:s11+$0x420] =	vst v0  }
0x39: {  	[tilespmem:s11+$0x430] =	vst v0  }
0x3a: {  	[tilespmem:s11+$0x440] =	vst v0  }
0x3b: {  	[tilespmem:s11+$0x450] =	vst v0  }
0x3c: {  	s10 =	simm.s32 @!p0 $0x0;
	[tilespmem:s11+$0x460] =	vst v0  }
0x3d: {  	[hbm4b:s3+s10] =	stream.linear.scatter @!p0 [tilespmem:s10], [sflag:$0x1], $0x1B800, $0x38;
	[tilespmem:$0x1B800] =	vst v63  }
0x3e: {  	_ = 	snop  }
0x3f: {  	[hbm4b:s4+s10] =	stream.linear.scatter @!p0 [tilespmem:s10], [sflag:$0x1], $0x1B800, $0x38;
	[tilespmem:$0x1B800] =	vst v63  }
0x40: {  	_ = 	snop  }
0x41: {  	[hbm4b:s5+s10] =	stream.linear.scatter @!p0 [tilespmem:s10], [sflag:$0x1], $0x1B800, $0x38;
	[tilespmem:$0x1B800] =	vst v63  }
0x42: {  	_ = 	snop  }
0x43: {  	[hbm4b:s6+s10] =	stream.linear.scatter @!p0 [tilespmem:s10], [sflag:$0x1], $0x1B800, $0x38;
	[tilespmem:$0x1B800] =	vst v63  }
0x44: {  	_ = 	snop  }
0x45: {  	[hbm4b:s7+s10] =	stream.linear.scatter @!p0 [tilespmem:s10], [sflag:$0x1], $0x1B800, $0x38;
	[tilespmem:$0x1B800] =	vst v63  }
0x46: {  	s10 =	simm.s32 @!p0 $0x1  }
0x47: {  	_ =	swait.ge @!p0 [sflag:s10], $0x1B800  }
0x48: {  	[sflag:s10] =	ssyncset.done @!p0 $0x0  }
0x49: {  	[sflag:s10] =	ssyncadd.s32 @!p0 $0xFFFE4800  }
0x4a: {  	_ =	swait.ge @!p0 [sflag:s10], $0x1B800  }
0x4b: {  	[sflag:s10] =	ssyncset.done @!p0 $0x0  }
0x4c: {  	[sflag:s10] =	ssyncadd.s32 @!p0 $0xFFFE4800  }
0x4d: {  	_ =	swait.ge @!p0 [sflag:s10], $0x1B800  }
0x4e: {  	[sflag:s10] =	ssyncset.done @!p0 $0x0  }
0x4f: {  	s9 =	sadd.s32 $0x1, s9;
	[sflag:s10] =	ssyncadd.s32 @!p0 $0xFFFE4800  }
0x50: {  	p1 =	sne.s32 s9, s8;
	_ =	swait.ge @!p0 [sflag:s10], $0x1B800  }
.Ltmp1:
0x51: {  	[sflag:s10] =	ssyncset.done @!p0 $0x0;
	(pc) =	sbr.rel @p1 .LBB2_1-.Ltmp1, $4  }
0x52: {  	[sflag:s10] =	ssyncadd.s32 @!p0 $0xFFFE4800  }
0x53: {  	_ =	swait.ge @!p0 [sflag:s10], $0x1B800  }
0x54: {  	[sflag:s10] =	ssyncset.done @!p0 $0x0  }
0x55: {  	[sflag:s10] =	ssyncadd.s32 @!p0 $0xFFFE4800  }
0x56: {  	_ =	sfence.sel $0x180000  }
0x57: {  	[bflag:$0x0] =	sbarrier.arrive $0xFFFF  }
0x58: {  	p0 =	sne.s32 s0, $0x0;
	_ =	strace $0x90000047  }
0x59: {  	s0 =	sadd.s32 @!p0 $0x100000, s1;
	[bflag:$0x2] =	sbarrier.arrive $0xFFFF  }
0x5a: {  	[sflag:s0] =	ssyncadd.tile.s32 @!p0 $0x1;
	_ =	shalt  }
.Lfunc_end2:
_tile_overlayer_lowered:
.L_overlay_start_2:
0x5b: {  	(tag) =	ssettag $0x2  }
0x5c: {  	s0 =	rddreg [dreg:$0x0];
	s2 =	stileid.u32  }
0x5d: {  	s1 =	rddreg [dreg:$0x1];
	p0 =	sne.s32 s2, $0x0  }
0x5e: {  	s3 =	rddreg [dreg:$0x2];
	[bflag:$0x3] =	sbarrier.arrive $0xFFFF;
	s2 =	simm.s32 @!p0 $0x1C02  }
0x5f: {  	[timem:s3], [sflag:s2] =	dma.local @!p0 [hbm:s0], s1  }
0x60: {  	s0 =	simm.s32 @!p0 $0x2  }
0x61: {  	_ =	swait.ge @!p0 [sflag:s0], s1  }
0x62: {  	s1 =	ssub.s32 @!p0 $0x0, s1;
	[sflag:s0] =	ssyncset.done @!p0 $0x0  }
0x63: {  	[sflag:s0] =	ssyncadd.s32 @!p0 s1  }
0x64: {  	[bflag:$0x3] =	sbarrier.arrive $0xFFFF  }
0x65: {  	_ =	shalt  }

</sc_bundles>
